<compile_context>
chip_gen: v7x
topology: tpu7x:2x2x1
jax: 0.10.2.dev20260603
libtpu: 0.0.44.dev20260713+nightly
codegen_flags: <defaults>
</compile_context>

<pallas_src>
import functools

import jax
import jax.numpy as jnp
from jax import lax
from jax.experimental import pallas as pl
from jax.experimental.pallas import tpu as pltpu
from jax.experimental.pallas import tpu_sc as plsc

N_AT = 100000
NE = 119
D = 24
L = 16

NC = 2
NS = 16
NW = NC * NS

N_PAD = 100096
APW = 3200
N_SUB = 5
SUB = APW // N_SUB
SUB_CHUNKS = SUB // L
MAX_ASTART = N_AT - APW
IDX_ALLOC = APW + 2432


@functools.partial(
    pl.kernel,
    out_type=jax.ShapeDtypeStruct((D, N_PAD), jnp.float32),
    mesh=plsc.VectorSubcoreMesh(core_axis_name="c", subcore_axis_name="s"),
    scratch_types=[
        pltpu.VMEM((D, NE), jnp.float32),
        pltpu.VMEM((IDX_ALLOC,), jnp.int32),
        pltpu.VMEM((D, APW), jnp.float32),
        pltpu.SemaphoreType.DMA,
    ],
    compiler_params=pltpu.CompilerParams(needs_layout_passes=False),
)
def _gather_kernel(tab_hbm, idx_hbm, out_hbm, tab_v, idx_v, out_v, sem):
    cid = lax.axis_index("c")
    sid = lax.axis_index("s")
    wid = sid * NC + cid

    i0 = wid * APW
    astart = jnp.minimum(i0, MAX_ASTART)
    astart = pl.multiple_of(astart, 8)
    loff = i0 - astart

    ca = pltpu.async_copy(tab_hbm, tab_v, sem)
    cb = pltpu.async_copy(idx_hbm.at[pl.ds(astart, APW)], idx_v.at[pl.ds(0, APW)], sem)
    ca.wait()
    cb.wait()

    jvecs = [jnp.full((L,), j, jnp.int32) for j in range(D)]

    def _sub_block(b, carry):
        @plsc.parallel_loop(0, SUB_CHUNKS, 1, unroll=1)
        def _loop(c):
            cg = b * SUB_CHUNKS + c
            zvec = idx_v[pl.ds(loff + cg * L, L)]
            z = jnp.minimum(jnp.maximum(zvec, 0), NE - 1)
            for j in range(D):
                v = plsc.load_gather(tab_v, [jvecs[j], z])
                out_v[j, pl.ds(cg * L, L)] = v

        dst = jnp.minimum(i0 + b * SUB, N_PAD - SUB)
        dst = pl.multiple_of(dst, 128)
        src = pl.multiple_of(dst - i0, 128)
        pltpu.async_copy(
            out_v.at[:, pl.ds(src, SUB)],
            out_hbm.at[:, pl.ds(dst, SUB)],
            sem,
        )
        return carry

    lax.fori_loop(0, N_SUB, _sub_block, 0)

    for _ in range(N_SUB):
        pltpu.make_async_copy(
            out_v.at[:, pl.ds(0, SUB)],
            out_hbm.at[:, pl.ds(0, SUB)],
            sem,
        ).wait()


@jax.jit
def kernel(atomic_numbers, e_config):
    return _gather_kernel(e_config.T, atomic_numbers).T[:N_AT]

# --- scband reference (transcript-rebuilt; emitter-appended) ---
"""Pipeline reference for scband-electronic-configuration-encoding-65171833749705 (READ-ONLY COPY).

The authoritative reference and input builder live on the scoring server;
editing this copy changes nothing except your own understanding.
"""

import jax, jax.numpy as jnp
import numpy as np

N_ATOMS = 100000
N_ELEMENTS = 119
CONFIG_DIM = 24


def setup_inputs(seed: int = 0) -> dict:
    key = jax.random.key(seed)
    atomic_numbers = jax.random.randint(key, (N_ATOMS,), 0, N_ELEMENTS, dtype=jnp.int32)
    # Fixed electronic-configuration buffer (Z, 1s, 2s, 2p, ... vs vp vd vf).
    # Occupation numbers are small non-negative integers stored as float32;
    # exact chemistry values do not change the computation structure (a row gather).
    rs = np.random.RandomState(0)
    e_config = jnp.asarray(rs.randint(0, 15, size=(N_ELEMENTS, CONFIG_DIM)).astype(np.float32))
    return {"atomic_numbers": atomic_numbers, "e_config": e_config}


def reference(atomic_numbers, e_config):
    # forward: row-gather of the electronic configuration table per atom
    return jnp.take(e_config, atomic_numbers, axis=0)

if __name__ == "__main__":
    import jax
    _d = setup_inputs()
    print(jax.jit(kernel)(*tuple(_d.values())))

</pallas_src>

<mosaic_0001>
#map = affine_map<(d0, d1) -> (0, 0)>
#map1 = affine_map<(d0, d1) -> (0)>
module attributes {stable_mosaic.version = 14 : i64} {
  func.func @_gather_kernel(%arg0: i32, %arg1: i32, %arg2: memref<24x119xf32, #tpu.memory_space<hbm>>, %arg3: memref<100000xi32, #tpu.memory_space<hbm>>, %arg4: memref<24x100096xf32, #tpu.memory_space<hbm>>, %arg5: memref<24x119xf32, #tpu.memory_space<vmem>>, %arg6: memref<5632xi32, #tpu.memory_space<vmem>>, %arg7: memref<24x3200xf32, #tpu.memory_space<vmem>>, %arg8: memref<!tpu.dma_semaphore, #tpu.memory_space<semaphore_mem>>) attributes {dimension_semantics = [#tpu.dimension_semantics<core_parallel>, #tpu.dimension_semantics<subcore_parallel>], iteration_bounds = array<i64: 2, 16>, scalar_prefetch = 0 : i64, scratch_operands = 4 : i64, tpu.core_type = #tpu.core_type<sc_vector_subcore>, window_params = [{transform_indices = #map}, {transform_indices = #map1}, {transform_indices = #map}]} {
    %mul3A = arith.constant 2 : i32
    %mul3A_0 = arith.muli %arg1, %mul3A : i32
    %add3A = arith.addi %mul3A_0, %arg0 : i32
    %mul3A_1 = arith.constant 3200 : i32
    %mul3A_2 = arith.muli %add3A, %mul3A_1 : i32
    %min3A = arith.constant 96800 : i32
    %min3A_3 = arith.minsi %mul3A_2, %min3A : i32
    %multiple_of3A = tpu.assume_multiple %min3A_3, 8 : i32
    %sub3A = arith.subi %mul3A_2, %multiple_of3A : i32
    tpu.enqueue_dma source(%arg2 : memref<24x119xf32, #tpu.memory_space<hbm>>) target(%arg5 : memref<24x119xf32, #tpu.memory_space<vmem>>) target_semaphore(%arg8 : memref<!tpu.dma_semaphore, #tpu.memory_space<semaphore_mem>>)
    %dma_start3A = arith.constant 0 : i32
    %dma_start3A_4 = tpu.memref_slice %arg6[%dma_start3A] : memref<5632xi32, #tpu.memory_space<vmem>> -> memref<3200xi32, #tpu.memory_space<vmem>>
    %dma_start3A_5 = tpu.memref_slice %arg3[%multiple_of3A] : memref<100000xi32, #tpu.memory_space<hbm>> -> memref<3200xi32, #tpu.memory_space<hbm>>
    %dma_start3A_6 = arith.constant 0 : i32
    %dma_start3A_7 = tpu.memref_slice %arg6[%dma_start3A_6] : memref<5632xi32, #tpu.memory_space<vmem>> -> memref<3200xi32, #tpu.memory_space<vmem>>
    %dma_start3A_8 = tpu.memref_slice %arg3[%multiple_of3A] : memref<100000xi32, #tpu.memory_space<hbm>> -> memref<3200xi32, #tpu.memory_space<hbm>>
    tpu.enqueue_dma source(%dma_start3A_8 : memref<3200xi32, #tpu.memory_space<hbm>>) target(%dma_start3A_7 : memref<3200xi32, #tpu.memory_space<vmem>>) target_semaphore(%arg8 : memref<!tpu.dma_semaphore, #tpu.memory_space<semaphore_mem>>)
    tpu.wait_dma2 semaphore(%arg8 : memref<!tpu.dma_semaphore, #tpu.memory_space<semaphore_mem>>) src(%arg2 : memref<24x119xf32, #tpu.memory_space<hbm>>) dst(%arg5 : memref<24x119xf32, #tpu.memory_space<vmem>>)
    %dma_wait3A = arith.constant 0 : i32
    %dma_wait3A_9 = tpu.memref_slice %arg6[%dma_wait3A] : memref<5632xi32, #tpu.memory_space<vmem>> -> memref<3200xi32, #tpu.memory_space<vmem>>
    %dma_wait3A_10 = tpu.memref_slice %arg3[%multiple_of3A] : memref<100000xi32, #tpu.memory_space<hbm>> -> memref<3200xi32, #tpu.memory_space<hbm>>
    %dma_wait3A_11 = arith.constant 0 : i32
    %dma_wait3A_12 = tpu.memref_slice %arg6[%dma_wait3A_11] : memref<5632xi32, #tpu.memory_space<vmem>> -> memref<3200xi32, #tpu.memory_space<vmem>>
    %dma_wait3A_13 = tpu.memref_slice %arg3[%multiple_of3A] : memref<100000xi32, #tpu.memory_space<hbm>> -> memref<3200xi32, #tpu.memory_space<hbm>>
    tpu.wait_dma2 semaphore(%arg8 : memref<!tpu.dma_semaphore, #tpu.memory_space<semaphore_mem>>) src(%dma_wait3A_13 : memref<3200xi32, #tpu.memory_space<hbm>>) dst(%dma_wait3A_12 : memref<3200xi32, #tpu.memory_space<vmem>>)
    %broadcast_in_dim3A = arith.constant 0 : i32
    %broadcast_in_dim3A_14 = vector.broadcast %broadcast_in_dim3A : i32 to vector<16xi32>
    %broadcast_in_dim3A_15 = arith.constant 1 : i32
    %broadcast_in_dim3A_16 = vector.broadcast %broadcast_in_dim3A_15 : i32 to vector<16xi32>
    %broadcast_in_dim3A_17 = arith.constant 2 : i32
    %broadcast_in_dim3A_18 = vector.broadcast %broadcast_in_dim3A_17 : i32 to vector<16xi32>
    %broadcast_in_dim3A_19 = arith.constant 3 : i32
    %broadcast_in_dim3A_20 = vector.broadcast %broadcast_in_dim3A_19 : i32 to vector<16xi32>
    %broadcast_in_dim3A_21 = arith.constant 4 : i32
    %broadcast_in_dim3A_22 = vector.broadcast %broadcast_in_dim3A_21 : i32 to vector<16xi32>
    %broadcast_in_dim3A_23 = arith.constant 5 : i32
    %broadcast_in_dim3A_24 = vector.broadcast %broadcast_in_dim3A_23 : i32 to vector<16xi32>
    %broadcast_in_dim3A_25 = arith.constant 6 : i32
    %broadcast_in_dim3A_26 = vector.broadcast %broadcast_in_dim3A_25 : i32 to vector<16xi32>
    %broadcast_in_dim3A_27 = arith.constant 7 : i32
    %broadcast_in_dim3A_28 = vector.broadcast %broadcast_in_dim3A_27 : i32 to vector<16xi32>
    %broadcast_in_dim3A_29 = arith.constant 8 : i32
    %broadcast_in_dim3A_30 = vector.broadcast %broadcast_in_dim3A_29 : i32 to vector<16xi32>
    %broadcast_in_dim3A_31 = arith.constant 9 : i32
    %broadcast_in_dim3A_32 = vector.broadcast %broadcast_in_dim3A_31 : i32 to vector<16xi32>
    %broadcast_in_dim3A_33 = arith.constant 10 : i32
    %broadcast_in_dim3A_34 = vector.broadcast %broadcast_in_dim3A_33 : i32 to vector<16xi32>
    %broadcast_in_dim3A_35 = arith.constant 11 : i32
    %broadcast_in_dim3A_36 = vector.broadcast %broadcast_in_dim3A_35 : i32 to vector<16xi32>
    %broadcast_in_dim3A_37 = arith.constant 12 : i32
    %broadcast_in_dim3A_38 = vector.broadcast %broadcast_in_dim3A_37 : i32 to vector<16xi32>
    %broadcast_in_dim3A_39 = arith.constant 13 : i32
    %broadcast_in_dim3A_40 = vector.broadcast %broadcast_in_dim3A_39 : i32 to vector<16xi32>
    %broadcast_in_dim3A_41 = arith.constant 14 : i32
    %broadcast_in_dim3A_42 = vector.broadcast %broadcast_in_dim3A_41 : i32 to vector<16xi32>
    %broadcast_in_dim3A_43 = arith.constant 15 : i32
    %broadcast_in_dim3A_44 = vector.broadcast %broadcast_in_dim3A_43 : i32 to vector<16xi32>
    %broadcast_in_dim3A_45 = arith.constant 16 : i32
    %broadcast_in_dim3A_46 = vector.broadcast %broadcast_in_dim3A_45 : i32 to vector<16xi32>
    %broadcast_in_dim3A_47 = arith.constant 17 : i32
    %broadcast_in_dim3A_48 = vector.broadcast %broadcast_in_dim3A_47 : i32 to vector<16xi32>
    %broadcast_in_dim3A_49 = arith.constant 18 : i32
    %broadcast_in_dim3A_50 = vector.broadcast %broadcast_in_dim3A_49 : i32 to vector<16xi32>
    %broadcast_in_dim3A_51 = arith.constant 19 : i32
    %broadcast_in_dim3A_52 = vector.broadcast %broadcast_in_dim3A_51 : i32 to vector<16xi32>
    %broadcast_in_dim3A_53 = arith.constant 20 : i32
    %broadcast_in_dim3A_54 = vector.broadcast %broadcast_in_dim3A_53 : i32 to vector<16xi32>
    %broadcast_in_dim3A_55 = arith.constant 21 : i32
    %broadcast_in_dim3A_56 = vector.broadcast %broadcast_in_dim3A_55 : i32 to vector<16xi32>
    %broadcast_in_dim3A_57 = arith.constant 22 : i32
    %broadcast_in_dim3A_58 = vector.broadcast %broadcast_in_dim3A_57 : i32 to vector<16xi32>
    %broadcast_in_dim3A_59 = arith.constant 23 : i32
    %broadcast_in_dim3A_60 = vector.broadcast %broadcast_in_dim3A_59 : i32 to vector<16xi32>
    %scan3A = arith.constant 0 : i32
    %scan3A_61 = arith.constant 0 : i32
    %scan3A_62 = arith.constant 5 : i32
    %scan3A_63 = arith.addi %scan3A_61, %scan3A_62 : i32
    %scan3A_64 = arith.constant 1 : i32
    scf.for %scan3A_126 = %scan3A_61 to %scan3A_63 step %scan3A_64  : i32 {
      %parallel_loop3A = arith.constant 0 : i32
      %parallel_loop3A_127 = arith.constant 40 : i32
      %parallel_loop3A_128 = arith.constant 1 : i32
      scf.for %parallel_loop3A_145 = %parallel_loop3A to %parallel_loop3A_127 step %parallel_loop3A_128  : i32 {
        %parallel_loop3A_146 = arith.constant 40 : i32
        %parallel_loop3A_147 = arith.muli %scan3A_126, %parallel_loop3A_146 : i32
        %parallel_loop3A_148 = arith.addi %parallel_loop3A_147, %parallel_loop3A_145 : i32
        %parallel_loop3A_149 = arith.constant 16 : i32
        %parallel_loop3A_150 = arith.muli %parallel_loop3A_148, %parallel_loop3A_149 : i32
        %parallel_loop3A_151 = arith.addi %sub3A, %parallel_loop3A_150 : i32
        %parallel_loop3A_152 = arith.index_cast %parallel_loop3A_151 : i32 to index
        %parallel_loop3A_153 = tpu.vector_load %arg6[%parallel_loop3A_152] {strides = array<i32>} : memref<5632xi32, #tpu.memory_space<vmem>>, vector<16xi32>,
        %parallel_loop3A_154 = arith.constant 0 : i32
        %parallel_loop3A_155 = vector.broadcast %parallel_loop3A_154 : i32 to vector<16xi32>
        %parallel_loop3A_156 = arith.maxsi %parallel_loop3A_153, %parallel_loop3A_155 : vector<16xi32>
        %parallel_loop3A_157 = arith.constant 118 : i32
        %parallel_loop3A_158 = vector.broadcast %parallel_loop3A_157 : i32 to vector<16xi32>
        %parallel_loop3A_159 = arith.minsi %parallel_loop3A_156, %parallel_loop3A_158 : vector<16xi32>
        %parallel_loop3A_160 = tpu.vector_load_idx %arg5[%broadcast_in_dim3A_14, %parallel_loop3A_159] : memref<24x119xf32, #tpu.memory_space<vmem>>[vector<16xi32>, vector<16xi32>], vector<16xf32>,
        %parallel_loop3A_161 = arith.constant 16 : i32
        %parallel_loop3A_162 = arith.muli %parallel_loop3A_148, %parallel_loop3A_161 : i32
        %parallel_loop3A_163 = arith.constant 0 : i32
        %parallel_loop3A_164 = arith.index_cast %parallel_loop3A_163 : i32 to index
        %parallel_loop3A_165 = arith.index_cast %parallel_loop3A_162 : i32 to index
        %parallel_loop3A_166 = tpu.vector_load %arg7[%parallel_loop3A_164, %parallel_loop3A_165] {strides = array<i32>} : memref<24x3200xf32, #tpu.memory_space<vmem>>, vector<16xf32>,
        tpu.vector_store %arg7[%parallel_loop3A_164, %parallel_loop3A_165], %parallel_loop3A_160 {strides = array<i32>} : memref<24x3200xf32, #tpu.memory_space<vmem>>, vector<16xf32>,
        %parallel_loop3A_167 = tpu.vector_load_idx %arg5[%broadcast_in_dim3A_16, %parallel_loop3A_159] : memref<24x119xf32, #tpu.memory_space<vmem>>[vector<16xi32>, vector<16xi32>], vector<16xf32>,
        %parallel_loop3A_168 = arith.constant 16 : i32
        %parallel_loop3A_169 = arith.muli %parallel_loop3A_148, %parallel_loop3A_168 : i32
        %parallel_loop3A_170 = arith.constant 1 : i32
        %parallel_loop3A_171 = arith.index_cast %parallel_loop3A_170 : i32 to index
        %parallel_loop3A_172 = arith.index_cast %parallel_loop3A_169 : i32 to index
        %parallel_loop3A_173 = tpu.vector_load %arg7[%parallel_loop3A_171, %parallel_loop3A_172] {strides = array<i32>} : memref<24x3200xf32, #tpu.memory_space<vmem>>, vector<16xf32>,
        tpu.vector_store %arg7[%parallel_loop3A_171, %parallel_loop3A_172], %parallel_loop3A_167 {strides = array<i32>} : memref<24x3200xf32, #tpu.memory_space<vmem>>, vector<16xf32>,
        %parallel_loop3A_174 = tpu.vector_load_idx %arg5[%broadcast_in_dim3A_18, %parallel_loop3A_159] : memref<24x119xf32, #tpu.memory_space<vmem>>[vector<16xi32>, vector<16xi32>], vector<16xf32>,
        %parallel_loop3A_175 = arith.constant 16 : i32
        %parallel_loop3A_176 = arith.muli %parallel_loop3A_148, %parallel_loop3A_175 : i32
        %parallel_loop3A_177 = arith.constant 2 : i32
        %parallel_loop3A_178 = arith.index_cast %parallel_loop3A_177 : i32 to index
        %parallel_loop3A_179 = arith.index_cast %parallel_loop3A_176 : i32 to index
        %parallel_loop3A_180 = tpu.vector_load %arg7[%parallel_loop3A_178, %parallel_loop3A_179] {strides = array<i32>} : memref<24x3200xf32, #tpu.memory_space<vmem>>, vector<16xf32>,
        tpu.vector_store %arg7[%parallel_loop3A_178, %parallel_loop3A_179], %parallel_loop3A_174 {strides = array<i32>} : memref<24x3200xf32, #tpu.memory_space<vmem>>, vector<16xf32>,
        %parallel_loop3A_181 = tpu.vector_load_idx %arg5[%broadcast_in_dim3A_20, %parallel_loop3A_159] : memref<24x119xf32, #tpu.memory_space<vmem>>[vector<16xi32>, vector<16xi32>], vector<16xf32>,
        %parallel_loop3A_182 = arith.constant 16 : i32
        %parallel_loop3A_183 = arith.muli %parallel_loop3A_148, %parallel_loop3A_182 : i32
        %parallel_loop3A_184 = arith.constant 3 : i32
        %parallel_loop3A_185 = arith.index_cast %parallel_loop3A_184 : i32 to index
        %parallel_loop3A_186 = arith.index_cast %parallel_loop3A_183 : i32 to index
        %parallel_loop3A_187 = tpu.vector_load %arg7[%parallel_loop3A_185, %parallel_loop3A_186] {strides = array<i32>} : memref<24x3200xf32, #tpu.memory_space<vmem>>, vector<16xf32>,
        tpu.vector_store %arg7[%parallel_loop3A_185, %parallel_loop3A_186], %parallel_loop3A_181 {strides = array<i32>} : memref<24x3200xf32, #tpu.memory_space<vmem>>, vector<16xf32>,
        %parallel_loop3A_188 = tpu.vector_load_idx %arg5[%broadcast_in_dim3A_22, %parallel_loop3A_159] : memref<24x119xf32, #tpu.memory_space<vmem>>[vector<16xi32>, vector<16xi32>], vector<16xf32>,
        %parallel_loop3A_189 = arith.constant 16 : i32
        %parallel_loop3A_190 = arith.muli %parallel_loop3A_148, %parallel_loop3A_189 : i32
        %parallel_loop3A_191 = arith.constant 4 : i32
        %parallel_loop3A_192 = arith.index_cast %parallel_loop3A_191 : i32 to index
        %parallel_loop3A_193 = arith.index_cast %parallel_loop3A_190 : i32 to index
        %parallel_loop3A_194 = tpu.vector_load %arg7[%parallel_loop3A_192, %parallel_loop3A_193] {strides = array<i32>} : memref<24x3200xf32, #tpu.memory_space<vmem>>, vector<16xf32>,
        tpu.vector_store %arg7[%parallel_loop3A_192, %parallel_loop3A_193], %parallel_loop3A_188 {strides = array<i32>} : memref<24x3200xf32, #tpu.memory_space<vmem>>, vector<16xf32>,
        %parallel_loop3A_195 = tpu.vector_load_idx %arg5[%broadcast_in_dim3A_24, %parallel_loop3A_159] : memref<24x119xf32, #tpu.memory_space<vmem>>[vector<16xi32>, vector<16xi32>], vector<16xf32>,
        %parallel_loop3A_196 = arith.constant 16 : i32
        %parallel_loop3A_197 = arith.muli %parallel_loop3A_148, %parallel_loop3A_196 : i32
        %parallel_loop3A_198 = arith.constant 5 : i32
        %parallel_loop3A_199 = arith.index_cast %parallel_loop3A_198 : i32 to index
        %parallel_loop3A_200 = arith.index_cast %parallel_loop3A_197 : i32 to index
        %parallel_loop3A_201 = tpu.vector_load %arg7[%parallel_loop3A_199, %parallel_loop3A_200] {strides = array<i32>} : memref<24x3200xf32, #tpu.memory_space<vmem>>, vector<16xf32>,
        tpu.vector_store %arg7[%parallel_loop3A_199, %parallel_loop3A_200], %parallel_loop3A_195 {strides = array<i32>} : memref<24x3200xf32, #tpu.memory_space<vmem>>, vector<16xf32>,
        %parallel_loop3A_202 = tpu.vector_load_idx %arg5[%broadcast_in_dim3A_26, %parallel_loop3A_159] : memref<24x119xf32, #tpu.memory_space<vmem>>[vector<16xi32>, vector<16xi32>], vector<16xf32>,
        %parallel_loop3A_203 = arith.constant 16 : i32
        %parallel_loop3A_204 = arith.muli %parallel_loop3A_148, %parallel_loop3A_203 : i32
        %parallel_loop3A_205 = arith.constant 6 : i32
        %parallel_loop3A_206 = arith.index_cast %parallel_loop3A_205 : i32 to index
        %parallel_loop3A_207 = arith.index_cast %parallel_loop3A_204 : i32 to index
        %parallel_loop3A_208 = tpu.vector_load %arg7[%parallel_loop3A_206, %parallel_loop3A_207] {strides = array<i32>} : memref<24x3200xf32, #tpu.memory_space<vmem>>, vector<16xf32>,
        tpu.vector_store %arg7[%parallel_loop3A_206, %parallel_loop3A_207], %parallel_loop3A_202 {strides = array<i32>} : memref<24x3200xf32, #tpu.memory_space<vmem>>, vector<16xf32>,
        %parallel_loop3A_209 = tpu.vector_load_idx %arg5[%broadcast_in_dim3A_28, %parallel_loop3A_159] : memref<24x119xf32, #tpu.memory_space<vmem>>[vector<16xi32>, vector<16xi32>], vector<16xf32>,
        %parallel_loop3A_210 = arith.constant 16 : i32
        %parallel_loop3A_211 = arith.muli %parallel_loop3A_148, %parallel_loop3A_210 : i32
        %parallel_loop3A_212 = arith.constant 7 : i32
        %parallel_loop3A_213 = arith.index_cast %parallel_loop3A_212 : i32 to index
        %parallel_loop3A_214 = arith.index_cast %parallel_loop3A_211 : i32 to index
        %parallel_loop3A_215 = tpu.vector_load %arg7[%parallel_loop3A_213, %parallel_loop3A_214] {strides = array<i32>} : memref<24x3200xf32, #tpu.memory_space<vmem>>, vector<16xf32>,
        tpu.vector_store %arg7[%parallel_loop3A_213, %parallel_loop3A_214], %parallel_loop3A_209 {strides = array<i32>} : memref<24x3200xf32, #tpu.memory_space<vmem>>, vector<16xf32>,
        %parallel_loop3A_216 = tpu.vector_load_idx %arg5[%broadcast_in_dim3A_30, %parallel_loop3A_159] : memref<24x119xf32, #tpu.memory_space<vmem>>[vector<16xi32>, vector<16xi32>], vector<16xf32>,
        %parallel_loop3A_217 = arith.constant 16 : i32
        %parallel_loop3A_218 = arith.muli %parallel_loop3A_148, %parallel_loop3A_217 : i32
        %parallel_loop3A_219 = arith.constant 8 : i32
        %parallel_loop3A_220 = arith.index_cast %parallel_loop3A_219 : i32 to index
        %parallel_loop3A_221 = arith.index_cast %parallel_loop3A_218 : i32 to index
        %parallel_loop3A_222 = tpu.vector_load %arg7[%parallel_loop3A_220, %parallel_loop3A_221] {strides = array<i32>} : memref<24x3200xf32, #tpu.memory_space<vmem>>, vector<16xf32>,
        tpu.vector_store %arg7[%parallel_loop3A_220, %parallel_loop3A_221], %parallel_loop3A_216 {strides = array<i32>} : memref<24x3200xf32, #tpu.memory_space<vmem>>, vector<16xf32>,
        %parallel_loop3A_223 = tpu.vector_load_idx %arg5[%broadcast_in_dim3A_32, %parallel_loop3A_159] : memref<24x119xf32, #tpu.memory_space<vmem>>[vector<16xi32>, vector<16xi32>], vector<16xf32>,
        %parallel_loop3A_224 = arith.constant 16 : i32
        %parallel_loop3A_225 = arith.muli %parallel_loop3A_148, %parallel_loop3A_224 : i32
        %parallel_loop3A_226 = arith.constant 9 : i32
        %parallel_loop3A_227 = arith.index_cast %parallel_loop3A_226 : i32 to index
        %parallel_loop3A_228 = arith.index_cast %parallel_loop3A_225 : i32 to index
        %parallel_loop3A_229 = tpu.vector_load %arg7[%parallel_loop3A_227, %parallel_loop3A_228] {strides = array<i32>} : memref<24x3200xf32, #tpu.memory_space<vmem>>, vector<16xf32>,
        tpu.vector_store %arg7[%parallel_loop3A_227, %parallel_loop3A_228], %parallel_loop3A_223 {strides = array<i32>} : memref<24x3200xf32, #tpu.memory_space<vmem>>, vector<16xf32>,
        %parallel_loop3A_230 = tpu.vector_load_idx %arg5[%broadcast_in_dim3A_34, %parallel_loop3A_159] : memref<24x119xf32, #tpu.memory_space<vmem>>[vector<16xi32>, vector<16xi32>], vector<16xf32>,
        %parallel_loop3A_231 = arith.constant 16 : i32
        %parallel_loop3A_232 = arith.muli %parallel_loop3A_148, %parallel_loop3A_231 : i32
        %parallel_loop3A_233 = arith.constant 10 : i32
        %parallel_loop3A_234 = arith.index_cast %parallel_loop3A_233 : i32 to index
        %parallel_loop3A_235 = arith.index_cast %parallel_loop3A_232 : i32 to index
        %parallel_loop3A_236 = tpu.vector_load %arg7[%parallel_loop3A_234, %parallel_loop3A_235] {strides = array<i32>} : memref<24x3200xf32, #tpu.memory_space<vmem>>, vector<16xf32>,
        tpu.vector_store %arg7[%parallel_loop3A_234, %parallel_loop3A_235], %parallel_loop3A_230 {strides = array<i32>} : memref<24x3200xf32, #tpu.memory_space<vmem>>, vector<16xf32>,
        %parallel_loop3A_237 = tpu.vector_load_idx %arg5[%broadcast_in_dim3A_36, %parallel_loop3A_159] : memref<24x119xf32, #tpu.memory_space<vmem>>[vector<16xi32>, vector<16xi32>], vector<16xf32>,
        %parallel_loop3A_238 = arith.constant 16 : i32
        %parallel_loop3A_239 = arith.muli %parallel_loop3A_148, %parallel_loop3A_238 : i32
        %parallel_loop3A_240 = arith.constant 11 : i32
        %parallel_loop3A_241 = arith.index_cast %parallel_loop3A_240 : i32 to index
        %parallel_loop3A_242 = arith.index_cast %parallel_loop3A_239 : i32 to index
        %parallel_loop3A_243 = tpu.vector_load %arg7[%parallel_loop3A_241, %parallel_loop3A_242] {strides = array<i32>} : memref<24x3200xf32, #tpu.memory_space<vmem>>, vector<16xf32>,
        tpu.vector_store %arg7[%parallel_loop3A_241, %parallel_loop3A_242], %parallel_loop3A_237 {strides = array<i32>} : memref<24x3200xf32, #tpu.memory_space<vmem>>, vector<16xf32>,
        %parallel_loop3A_244 = tpu.vector_load_idx %arg5[%broadcast_in_dim3A_38, %parallel_loop3A_159] : memref<24x119xf32, #tpu.memory_space<vmem>>[vector<16xi32>, vector<16xi32>], vector<16xf32>,
        %parallel_loop3A_245 = arith.constant 16 : i32
        %parallel_loop3A_246 = arith.muli %parallel_loop3A_148, %parallel_loop3A_245 : i32
        %parallel_loop3A_247 = arith.constant 12 : i32
        %parallel_loop3A_248 = arith.index_cast %parallel_loop3A_247 : i32 to index
        %parallel_loop3A_249 = arith.index_cast %parallel_loop3A_246 : i32 to index
        %parallel_loop3A_250 = tpu.vector_load %arg7[%parallel_loop3A_248, %parallel_loop3A_249] {strides = array<i32>} : memref<24x3200xf32, #tpu.memory_space<vmem>>, vector<16xf32>,
        tpu.vector_store %arg7[%parallel_loop3A_248, %parallel_loop3A_249], %parallel_loop3A_244 {strides = array<i32>} : memref<24x3200xf32, #tpu.memory_space<vmem>>, vector<16xf32>,
        %parallel_loop3A_251 = tpu.vector_load_idx %arg5[%broadcast_in_dim3A_40, %parallel_loop3A_159] : memref<24x119xf32, #tpu.memory_space<vmem>>[vector<16xi32>, vector<16xi32>], vector<16xf32>,
        %parallel_loop3A_252 = arith.constant 16 : i32
        %parallel_loop3A_253 = arith.muli %parallel_loop3A_148, %parallel_loop3A_252 : i32
        %parallel_loop3A_254 = arith.constant 13 : i32
        %parallel_loop3A_255 = arith.index_cast %parallel_loop3A_254 : i32 to index
        %parallel_loop3A_256 = arith.index_cast %parallel_loop3A_253 : i32 to index
        %parallel_loop3A_257 = tpu.vector_load %arg7[%parallel_loop3A_255, %parallel_loop3A_256] {strides = array<i32>} : memref<24x3200xf32, #tpu.memory_space<vmem>>, vector<16xf32>,
        tpu.vector_store %arg7[%parallel_loop3A_255, %parallel_loop3A_256], %parallel_loop3A_251 {strides = array<i32>} : memref<24x3200xf32, #tpu.memory_space<vmem>>, vector<16xf32>,
        %parallel_loop3A_258 = tpu.vector_load_idx %arg5[%broadcast_in_dim3A_42, %parallel_loop3A_159] : memref<24x119xf32, #tpu.memory_space<vmem>>[vector<16xi32>, vector<16xi32>], vector<16xf32>,
        %parallel_loop3A_259 = arith.constant 16 : i32
        %parallel_loop3A_260 = arith.muli %parallel_loop3A_148, %parallel_loop3A_259 : i32
        %parallel_loop3A_261 = arith.constant 14 : i32
        %parallel_loop3A_262 = arith.index_cast %parallel_loop3A_261 : i32 to index
        %parallel_loop3A_263 = arith.index_cast %parallel_loop3A_260 : i32 to index
        %parallel_loop3A_264 = tpu.vector_load %arg7[%parallel_loop3A_262, %parallel_loop3A_263] {strides = array<i32>} : memref<24x3200xf32, #tpu.memory_space<vmem>>, vector<16xf32>,
        tpu.vector_store %arg7[%parallel_loop3A_262, %parallel_loop3A_263], %parallel_loop3A_258 {strides = array<i32>} : memref<24x3200xf32, #tpu.memory_space<vmem>>, vector<16xf32>,
        %parallel_loop3A_265 = tpu.vector_load_idx %arg5[%broadcast_in_dim3A_44, %parallel_loop3A_159] : memref<24x119xf32, #tpu.memory_space<vmem>>[vector<16xi32>, vector<16xi32>], vector<16xf32>,
        %parallel_loop3A_266 = arith.constant 16 : i32
        %parallel_loop3A_267 = arith.muli %parallel_loop3A_148, %parallel_loop3A_266 : i32
        %parallel_loop3A_268 = arith.constant 15 : i32
        %parallel_loop3A_269 = arith.index_cast %parallel_loop3A_268 : i32 to index
        %parallel_loop3A_270 = arith.index_cast %parallel_loop3A_267 : i32 to index
        %parallel_loop3A_271 = tpu.vector_load %arg7[%parallel_loop3A_269, %parallel_loop3A_270] {strides = array<i32>} : memref<24x3200xf32, #tpu.memory_space<vmem>>, vector<16xf32>,
        tpu.vector_store %arg7[%parallel_loop3A_269, %parallel_loop3A_270], %parallel_loop3A_265 {strides = array<i32>} : memref<24x3200xf32, #tpu.memory_space<vmem>>, vector<16xf32>,
        %parallel_loop3A_272 = tpu.vector_load_idx %arg5[%broadcast_in_dim3A_46, %parallel_loop3A_159] : memref<24x119xf32, #tpu.memory_space<vmem>>[vector<16xi32>, vector<16xi32>], vector<16xf32>,
        %parallel_loop3A_273 = arith.constant 16 : i32
        %parallel_loop3A_274 = arith.muli %parallel_loop3A_148, %parallel_loop3A_273 : i32
        %parallel_loop3A_275 = arith.constant 16 : i32
        %parallel_loop3A_276 = arith.index_cast %parallel_loop3A_275 : i32 to index
        %parallel_loop3A_277 = arith.index_cast %parallel_loop3A_274 : i32 to index
        %parallel_loop3A_278 = tpu.vector_load %arg7[%parallel_loop3A_276, %parallel_loop3A_277] {strides = array<i32>} : memref<24x3200xf32, #tpu.memory_space<vmem>>, vector<16xf32>,
        tpu.vector_store %arg7[%parallel_loop3A_276, %parallel_loop3A_277], %parallel_loop3A_272 {strides = array<i32>} : memref<24x3200xf32, #tpu.memory_space<vmem>>, vector<16xf32>,
        %parallel_loop3A_279 = tpu.vector_load_idx %arg5[%broadcast_in_dim3A_48, %parallel_loop3A_159] : memref<24x119xf32, #tpu.memory_space<vmem>>[vector<16xi32>, vector<16xi32>], vector<16xf32>,
        %parallel_loop3A_280 = arith.constant 16 : i32
        %parallel_loop3A_281 = arith.muli %parallel_loop3A_148, %parallel_loop3A_280 : i32
        %parallel_loop3A_282 = arith.constant 17 : i32
        %parallel_loop3A_283 = arith.index_cast %parallel_loop3A_282 : i32 to index
        %parallel_loop3A_284 = arith.index_cast %parallel_loop3A_281 : i32 to index
        %parallel_loop3A_285 = tpu.vector_load %arg7[%parallel_loop3A_283, %parallel_loop3A_284] {strides = array<i32>} : memref<24x3200xf32, #tpu.memory_space<vmem>>, vector<16xf32>,
        tpu.vector_store %arg7[%parallel_loop3A_283, %parallel_loop3A_284], %parallel_loop3A_279 {strides = array<i32>} : memref<24x3200xf32, #tpu.memory_space<vmem>>, vector<16xf32>,
        %parallel_loop3A_286 = tpu.vector_load_idx %arg5[%broadcast_in_dim3A_50, %parallel_loop3A_159] : memref<24x119xf32, #tpu.memory_space<vmem>>[vector<16xi32>, vector<16xi32>], vector<16xf32>,
        %parallel_loop3A_287 = arith.constant 16 : i32
        %parallel_loop3A_288 = arith.muli %parallel_loop3A_148, %parallel_loop3A_287 : i32
        %parallel_loop3A_289 = arith.constant 18 : i32
        %parallel_loop3A_290 = arith.index_cast %parallel_loop3A_289 : i32 to index
        %parallel_loop3A_291 = arith.index_cast %parallel_loop3A_288 : i32 to index
        %parallel_loop3A_292 = tpu.vector_load %arg7[%parallel_loop3A_290, %parallel_loop3A_291] {strides = array<i32>} : memref<24x3200xf32, #tpu.memory_space<vmem>>, vector<16xf32>,
        tpu.vector_store %arg7[%parallel_loop3A_290, %parallel_loop3A_291], %parallel_loop3A_286 {strides = array<i32>} : memref<24x3200xf32, #tpu.memory_space<vmem>>, vector<16xf32>,
        %parallel_loop3A_293 = tpu.vector_load_idx %arg5[%broadcast_in_dim3A_52, %parallel_loop3A_159] : memref<24x119xf32, #tpu.memory_space<vmem>>[vector<16xi32>, vector<16xi32>], vector<16xf32>,
        %parallel_loop3A_294 = arith.constant 16 : i32
        %parallel_loop3A_295 = arith.muli %parallel_loop3A_148, %parallel_loop3A_294 : i32
        %parallel_loop3A_296 = arith.constant 19 : i32
        %parallel_loop3A_297 = arith.index_cast %parallel_loop3A_296 : i32 to index
        %parallel_loop3A_298 = arith.index_cast %parallel_loop3A_295 : i32 to index
        %parallel_loop3A_299 = tpu.vector_load %arg7[%parallel_loop3A_297, %parallel_loop3A_298] {strides = array<i32>} : memref<24x3200xf32, #tpu.memory_space<vmem>>, vector<16xf32>,
        tpu.vector_store %arg7[%parallel_loop3A_297, %parallel_loop3A_298], %parallel_loop3A_293 {strides = array<i32>} : memref<24x3200xf32, #tpu.memory_space<vmem>>, vector<16xf32>,
        %parallel_loop3A_300 = tpu.vector_load_idx %arg5[%broadcast_in_dim3A_54, %parallel_loop3A_159] : memref<24x119xf32, #tpu.memory_space<vmem>>[vector<16xi32>, vector<16xi32>], vector<16xf32>,
        %parallel_loop3A_301 = arith.constant 16 : i32
        %parallel_loop3A_302 = arith.muli %parallel_loop3A_148, %parallel_loop3A_301 : i32
        %parallel_loop3A_303 = arith.constant 20 : i32
        %parallel_loop3A_304 = arith.index_cast %parallel_loop3A_303 : i32 to index
        %parallel_loop3A_305 = arith.index_cast %parallel_loop3A_302 : i32 to index
        %parallel_loop3A_306 = tpu.vector_load %arg7[%parallel_loop3A_304, %parallel_loop3A_305] {strides = array<i32>} : memref<24x3200xf32, #tpu.memory_space<vmem>>, vector<16xf32>,
        tpu.vector_store %arg7[%parallel_loop3A_304, %parallel_loop3A_305], %parallel_loop3A_300 {strides = array<i32>} : memref<24x3200xf32, #tpu.memory_space<vmem>>, vector<16xf32>,
        %parallel_loop3A_307 = tpu.vector_load_idx %arg5[%broadcast_in_dim3A_56, %parallel_loop3A_159] : memref<24x119xf32, #tpu.memory_space<vmem>>[vector<16xi32>, vector<16xi32>], vector<16xf32>,
        %parallel_loop3A_308 = arith.constant 16 : i32
        %parallel_loop3A_309 = arith.muli %parallel_loop3A_148, %parallel_loop3A_308 : i32
        %parallel_loop3A_310 = arith.constant 21 : i32
        %parallel_loop3A_311 = arith.index_cast %parallel_loop3A_310 : i32 to index
        %parallel_loop3A_312 = arith.index_cast %parallel_loop3A_309 : i32 to index
        %parallel_loop3A_313 = tpu.vector_load %arg7[%parallel_loop3A_311, %parallel_loop3A_312] {strides = array<i32>} : memref<24x3200xf32, #tpu.memory_space<vmem>>, vector<16xf32>,
        tpu.vector_store %arg7[%parallel_loop3A_311, %parallel_loop3A_312], %parallel_loop3A_307 {strides = array<i32>} : memref<24x3200xf32, #tpu.memory_space<vmem>>, vector<16xf32>,
        %parallel_loop3A_314 = tpu.vector_load_idx %arg5[%broadcast_in_dim3A_58, %parallel_loop3A_159] : memref<24x119xf32, #tpu.memory_space<vmem>>[vector<16xi32>, vector<16xi32>], vector<16xf32>,
        %parallel_loop3A_315 = arith.constant 16 : i32
        %parallel_loop3A_316 = arith.muli %parallel_loop3A_148, %parallel_loop3A_315 : i32
        %parallel_loop3A_317 = arith.constant 22 : i32
        %parallel_loop3A_318 = arith.index_cast %parallel_loop3A_317 : i32 to index
        %parallel_loop3A_319 = arith.index_cast %parallel_loop3A_316 : i32 to index
        %parallel_loop3A_320 = tpu.vector_load %arg7[%parallel_loop3A_318, %parallel_loop3A_319] {strides = array<i32>} : memref<24x3200xf32, #tpu.memory_space<vmem>>, vector<16xf32>,
        tpu.vector_store %arg7[%parallel_loop3A_318, %parallel_loop3A_319], %parallel_loop3A_314 {strides = array<i32>} : memref<24x3200xf32, #tpu.memory_space<vmem>>, vector<16xf32>,
        %parallel_loop3A_321 = tpu.vector_load_idx %arg5[%broadcast_in_dim3A_60, %parallel_loop3A_159] : memref<24x119xf32, #tpu.memory_space<vmem>>[vector<16xi32>, vector<16xi32>], vector<16xf32>,
        %parallel_loop3A_322 = arith.constant 16 : i32
        %parallel_loop3A_323 = arith.muli %parallel_loop3A_148, %parallel_loop3A_322 : i32
        %parallel_loop3A_324 = arith.constant 23 : i32
        %parallel_loop3A_325 = arith.index_cast %parallel_loop3A_324 : i32 to index
        %parallel_loop3A_326 = arith.index_cast %parallel_loop3A_323 : i32 to index
        %parallel_loop3A_327 = tpu.vector_load %arg7[%parallel_loop3A_325, %parallel_loop3A_326] {strides = array<i32>} : memref<24x3200xf32, #tpu.memory_space<vmem>>, vector<16xf32>,
        tpu.vector_store %arg7[%parallel_loop3A_325, %parallel_loop3A_326], %parallel_loop3A_321 {strides = array<i32>} : memref<24x3200xf32, #tpu.memory_space<vmem>>, vector<16xf32>,
      } {sc.loop_unroll_factor = 1 : i64, sc.parallel_access}
      %mul3A_129 = arith.constant 640 : i32
      %mul3A_130 = arith.muli %scan3A_126, %mul3A_129 : i32
      %add3A_131 = arith.addi %mul3A_2, %mul3A_130 : i32
      %min3A_132 = arith.constant 99456 : i32
      %min3A_133 = arith.minsi %add3A_131, %min3A_132 : i32
      %multiple_of3A_134 = tpu.assume_multiple %min3A_133, 128 : i32
      %sub3A_135 = arith.subi %multiple_of3A_134, %mul3A_2 : i32
      %multiple_of3A_136 = tpu.assume_multiple %sub3A_135, 128 : i32
      %dma_start3A_137 = arith.constant 0 : i32
      %dma_start3A_138 = tpu.memref_slice %arg7[%dma_start3A_137, %multiple_of3A_136] : memref<24x3200xf32, #tpu.memory_space<vmem>> -> memref<24x640xf32, #tpu.memory_space<vmem>>
      %dma_start3A_139 = arith.constant 0 : i32
      %dma_start3A_140 = tpu.memref_slice %arg4[%dma_start3A_139, %multiple_of3A_134] : memref<24x100096xf32, #tpu.memory_space<hbm>> -> memref<24x640xf32, #tpu.memory_space<hbm>>
      %dma_start3A_141 = arith.constant 0 : i32
      %dma_start3A_142 = tpu.memref_slice %arg4[%dma_start3A_141, %multiple_of3A_134] : memref<24x100096xf32, #tpu.memory_space<hbm>> -> memref<24x640xf32, #tpu.memory_space<hbm>>
      %dma_start3A_143 = arith.constant 0 : i32
      %dma_start3A_144 = tpu.memref_slice %arg7[%dma_start3A_143, %multiple_of3A_136] : memref<24x3200xf32, #tpu.memory_space<vmem>> -> memref<24x640xf32, #tpu.memory_space<vmem>>
      tpu.enqueue_dma source(%dma_start3A_144 : memref<24x640xf32, #tpu.memory_space<vmem>>) target(%dma_start3A_142 : memref<24x640xf32, #tpu.memory_space<hbm>>) target_semaphore(%arg8 : memref<!tpu.dma_semaphore, #tpu.memory_space<semaphore_mem>>)
    }
    %scan3A_65 = arith.constant 5 : i32
    %dma_wait3A_66 = arith.constant 0 : i32
    %dma_wait3A_67 = arith.constant 0 : i32
    %dma_wait3A_68 = tpu.memref_slice %arg7[%dma_wait3A_66, %dma_wait3A_67] : memref<24x3200xf32, #tpu.memory_space<vmem>> -> memref<24x640xf32, #tpu.memory_space<vmem>>
    %dma_wait3A_69 = arith.constant 0 : i32
    %dma_wait3A_70 = arith.constant 0 : i32
    %dma_wait3A_71 = tpu.memref_slice %arg4[%dma_wait3A_69, %dma_wait3A_70] : memref<24x100096xf32, #tpu.memory_space<hbm>> -> memref<24x640xf32, #tpu.memory_space<hbm>>
    %dma_wait3A_72 = arith.constant 0 : i32
    %dma_wait3A_73 = arith.constant 0 : i32
    %dma_wait3A_74 = tpu.memref_slice %arg4[%dma_wait3A_72, %dma_wait3A_73] : memref<24x100096xf32, #tpu.memory_space<hbm>> -> memref<24x640xf32, #tpu.memory_space<hbm>>
    %dma_wait3A_75 = arith.constant 0 : i32
    %dma_wait3A_76 = arith.constant 0 : i32
    %dma_wait3A_77 = tpu.memref_slice %arg7[%dma_wait3A_75, %dma_wait3A_76] : memref<24x3200xf32, #tpu.memory_space<vmem>> -> memref<24x640xf32, #tpu.memory_space<vmem>>
    tpu.wait_dma2 semaphore(%arg8 : memref<!tpu.dma_semaphore, #tpu.memory_space<semaphore_mem>>) src(%dma_wait3A_77 : memref<24x640xf32, #tpu.memory_space<vmem>>) dst(%dma_wait3A_74 : memref<24x640xf32, #tpu.memory_space<hbm>>)
    %dma_wait3A_78 = arith.constant 0 : i32
    %dma_wait3A_79 = arith.constant 0 : i32
    %dma_wait3A_80 = tpu.memref_slice %arg7[%dma_wait3A_78, %dma_wait3A_79] : memref<24x3200xf32, #tpu.memory_space<vmem>> -> memref<24x640xf32, #tpu.memory_space<vmem>>
    %dma_wait3A_81 = arith.constant 0 : i32
    %dma_wait3A_82 = arith.constant 0 : i32
    %dma_wait3A_83 = tpu.memref_slice %arg4[%dma_wait3A_81, %dma_wait3A_82] : memref<24x100096xf32, #tpu.memory_space<hbm>> -> memref<24x640xf32, #tpu.memory_space<hbm>>
    %dma_wait3A_84 = arith.constant 0 : i32
    %dma_wait3A_85 = arith.constant 0 : i32
    %dma_wait3A_86 = tpu.memref_slice %arg4[%dma_wait3A_84, %dma_wait3A_85] : memref<24x100096xf32, #tpu.memory_space<hbm>> -> memref<24x640xf32, #tpu.memory_space<hbm>>
    %dma_wait3A_87 = arith.constant 0 : i32
    %dma_wait3A_88 = arith.constant 0 : i32
    %dma_wait3A_89 = tpu.memref_slice %arg7[%dma_wait3A_87, %dma_wait3A_88] : memref<24x3200xf32, #tpu.memory_space<vmem>> -> memref<24x640xf32, #tpu.memory_space<vmem>>
    tpu.wait_dma2 semaphore(%arg8 : memref<!tpu.dma_semaphore, #tpu.memory_space<semaphore_mem>>) src(%dma_wait3A_89 : memref<24x640xf32, #tpu.memory_space<vmem>>) dst(%dma_wait3A_86 : memref<24x640xf32, #tpu.memory_space<hbm>>)
    %dma_wait3A_90 = arith.constant 0 : i32
    %dma_wait3A_91 = arith.constant 0 : i32
    %dma_wait3A_92 = tpu.memref_slice %arg7[%dma_wait3A_90, %dma_wait3A_91] : memref<24x3200xf32, #tpu.memory_space<vmem>> -> memref<24x640xf32, #tpu.memory_space<vmem>>
    %dma_wait3A_93 = arith.constant 0 : i32
    %dma_wait3A_94 = arith.constant 0 : i32
    %dma_wait3A_95 = tpu.memref_slice %arg4[%dma_wait3A_93, %dma_wait3A_94] : memref<24x100096xf32, #tpu.memory_space<hbm>> -> memref<24x640xf32, #tpu.memory_space<hbm>>
    %dma_wait3A_96 = arith.constant 0 : i32
    %dma_wait3A_97 = arith.constant 0 : i32
    %dma_wait3A_98 = tpu.memref_slice %arg4[%dma_wait3A_96, %dma_wait3A_97] : memref<24x100096xf32, #tpu.memory_space<hbm>> -> memref<24x640xf32, #tpu.memory_space<hbm>>
    %dma_wait3A_99 = arith.constant 0 : i32
    %dma_wait3A_100 = arith.constant 0 : i32
    %dma_wait3A_101 = tpu.memref_slice %arg7[%dma_wait3A_99, %dma_wait3A_100] : memref<24x3200xf32, #tpu.memory_space<vmem>> -> memref<24x640xf32, #tpu.memory_space<vmem>>
    tpu.wait_dma2 semaphore(%arg8 : memref<!tpu.dma_semaphore, #tpu.memory_space<semaphore_mem>>) src(%dma_wait3A_101 : memref<24x640xf32, #tpu.memory_space<vmem>>) dst(%dma_wait3A_98 : memref<24x640xf32, #tpu.memory_space<hbm>>)
    %dma_wait3A_102 = arith.constant 0 : i32
    %dma_wait3A_103 = arith.constant 0 : i32
    %dma_wait3A_104 = tpu.memref_slice %arg7[%dma_wait3A_102, %dma_wait3A_103] : memref<24x3200xf32, #tpu.memory_space<vmem>> -> memref<24x640xf32, #tpu.memory_space<vmem>>
    %dma_wait3A_105 = arith.constant 0 : i32
    %dma_wait3A_106 = arith.constant 0 : i32
    %dma_wait3A_107 = tpu.memref_slice %arg4[%dma_wait3A_105, %dma_wait3A_106] : memref<24x100096xf32, #tpu.memory_space<hbm>> -> memref<24x640xf32, #tpu.memory_space<hbm>>
    %dma_wait3A_108 = arith.constant 0 : i32
    %dma_wait3A_109 = arith.constant 0 : i32
    %dma_wait3A_110 = tpu.memref_slice %arg4[%dma_wait3A_108, %dma_wait3A_109] : memref<24x100096xf32, #tpu.memory_space<hbm>> -> memref<24x640xf32, #tpu.memory_space<hbm>>
    %dma_wait3A_111 = arith.constant 0 : i32
    %dma_wait3A_112 = arith.constant 0 : i32
    %dma_wait3A_113 = tpu.memref_slice %arg7[%dma_wait3A_111, %dma_wait3A_112] : memref<24x3200xf32, #tpu.memory_space<vmem>> -> memref<24x640xf32, #tpu.memory_space<vmem>>
    tpu.wait_dma2 semaphore(%arg8 : memref<!tpu.dma_semaphore, #tpu.memory_space<semaphore_mem>>) src(%dma_wait3A_113 : memref<24x640xf32, #tpu.memory_space<vmem>>) dst(%dma_wait3A_110 : memref<24x640xf32, #tpu.memory_space<hbm>>)
    %dma_wait3A_114 = arith.constant 0 : i32
    %dma_wait3A_115 = arith.constant 0 : i32
    %dma_wait3A_116 = tpu.memref_slice %arg7[%dma_wait3A_114, %dma_wait3A_115] : memref<24x3200xf32, #tpu.memory_space<vmem>> -> memref<24x640xf32, #tpu.memory_space<vmem>>
    %dma_wait3A_117 = arith.constant 0 : i32
    %dma_wait3A_118 = arith.constant 0 : i32
    %dma_wait3A_119 = tpu.memref_slice %arg4[%dma_wait3A_117, %dma_wait3A_118] : memref<24x100096xf32, #tpu.memory_space<hbm>> -> memref<24x640xf32, #tpu.memory_space<hbm>>
    %dma_wait3A_120 = arith.constant 0 : i32
    %dma_wait3A_121 = arith.constant 0 : i32
    %dma_wait3A_122 = tpu.memref_slice %arg4[%dma_wait3A_120, %dma_wait3A_121] : memref<24x100096xf32, #tpu.memory_space<hbm>> -> memref<24x640xf32, #tpu.memory_space<hbm>>
    %dma_wait3A_123 = arith.constant 0 : i32
    %dma_wait3A_124 = arith.constant 0 : i32
    %dma_wait3A_125 = tpu.memref_slice %arg7[%dma_wait3A_123, %dma_wait3A_124] : memref<24x3200xf32, #tpu.memory_space<vmem>> -> memref<24x640xf32, #tpu.memory_space<vmem>>
    tpu.wait_dma2 semaphore(%arg8 : memref<!tpu.dma_semaphore, #tpu.memory_space<semaphore_mem>>) src(%dma_wait3A_125 : memref<24x640xf32, #tpu.memory_space<vmem>>) dst(%dma_wait3A_122 : memref<24x640xf32, #tpu.memory_space<hbm>>)
    return
  }
}

</mosaic_0001>

<sc_bundles>
// kernel: kernel.3.cloned.1.call-start
scs
__scs_entry_jumppad:
0x0: {  	(pc) =	sbr.rel $0x88, $3  }
0x1: {  	(tag) =	ssettag $0x0;
	lr =	simm.s32 $0x1  }
0x2: {  	[smem:$0x3F9F] =	sst lr;
	_ =	strace $0xD0000000  }
0x3: {  	_ = 	snop  }
0x4: {  	_ = 	snop  }
0x5: {  	_ = 	snop  }
0x6: {  	_ = 	snop  }
0x7: {  	_ = 	snop  }
__scs_overlays_trampoline_lowered:
0x8: {  	[smem:$0x3FAE] =	sst s0  }
0x9: {  	[smem:$0x3FAF] =	sst s1  }
0xa: {  	[smem:$0x3FB0] =	sst s2  }
0xb: {  	[smem:$0x3FB1] =	sst s3  }
0xc: {  	[smem:$0x3FB2] =	sst s4  }
0xd: {  	[smem:$0x3FB3] =	sst s5  }
0xe: {  	[smem:$0x3FB4] =	sst s6  }
0xf: {  	[smem:$0x3FB5] =	sst s7  }
0x10: {  	[smem:$0x3FB6] =	sst s8  }
0x11: {  	[smem:$0x3FB7] =	sst s9;
	s0 =	simm.s32 @!p0 $0x0  }
0x12: {  	s1 =	sld [smem:$0x3F9D];
	s0 =	simm.s32 @p0 $0x1  }
0x13: {  	[smem:$0x3FB8] =	sst s0;
	s0 =	simm.s32 @!p1 $0x0  }
0x14: {  	s2 =	sld [smem:$0x3F9C];
	s0 =	simm.s32 @p1 $0x1  }
0x15: {  	[smem:$0x3FB9] =	sst s0;
	s0 =	simm.s32 @!p2 $0x0  }
0x16: {  	s3 =	sld [smem:$0x3FDB];
	s0 =	simm.s32 @p2 $0x1  }
0x17: {  	s4 =	simm.s32 $0x1BF5;
	[smem:$0x3FBB] =	sst s0  }
0x18: {  	s0 =	sld [smem:$0x3F9E];
	_ =	swait.ge [sflag:s4], $0x0  }
0x19: {  	s7 =	sld [smem:$0x3F9F]  }
0x1a: {  	s8 =	sadd.s32 $0xFFFFE003, lr  }
0x1b: {  	s9 =	sadd.s32 $0xFFFFFEF7, lr;
	s5 =	simm.s32 $0xFFFFFFFF;
	p2 =	slt.u32 s8, $0xFFFFF086  }
0x1c: {  	p1 =	slt.u32 s9, $0xF7A;
	s5 =	simm.s32 @!p2 $0x0  }
0x1d: {  	s5 =	simm.s32 @p1 $0x1;
	p0 =	seq.s32 s7, s2  }
0x1e: {  	s7 =	smul.u32 @!p0 $0xF7A, s2;
	p2 =	seq.s32 @!p0 s5, $0x0  }
0x1f: {  	s9 =	smul.u32 $0xF7A, s1;
	s8 =	simm.s32 @!p0 $0x1BF5;
	p2 =	por !p2, p0  }
0x20: {  	[sflag:s8] =	ssyncset.s32 @!p0 $0xFFFFF086;
	s6 =	sadd.s32 @!p0 s3, s7;
	s7 =	simm.s32 @!p0 $0x108  }
0x21: {  	s3 =	sadd.s32 s3, s9;
	s6 =	sadd.s32 @!p0 $0x88, s6;
	s7 =	simm.s32 @p2 $0x1082  }
0x22: {  	[simem:s7], [sflag:s8] =	dma.local @!p0 [hbm:s6], $0xF7A  }
0x23: {  	s9 =	sor.u32 $0xD0000000, s2;
	s6 =	simm.s32 $0x108;
	_ =	swait.ge @!p0 [sflag:s8], $0x0  }
0x24: {  	s3 =	sadd.s32 $0x88, s3;
	s6 =	simm.s32 @!p1 $0x1082;
	[sflag:s4] =	ssyncset.s32 $0xFFFFF086  }
0x25: {  	[simem:s6], [sflag:s4] =	dma.local [hbm:s3], $0xF7A  }
0x26: {  	[smem:$0x3F9F] =	sst s1;
	(tag) =	ssettag s2;
	_ =	strace s9  }
0x27: {  	s1 =	sld [smem:$0x3FAF]  }
0x28: {  	s2 =	sld [smem:$0x3FB0]  }
0x29: {  	s4 =	sld [smem:$0x3FB2]  }
0x2a: {  	p0 =	seq.s32 s5, $0x0;
	s5 =	sld [smem:$0x3FB3]  }
0x2b: {  	s6 =	sld [smem:$0x3FB4]  }
0x2c: {  	s7 =	sld [smem:$0x3FB5]  }
0x2d: {  	s3 =	simm.s32 $0x108;
	s8 =	sld [smem:$0x3FB6]  }
0x2e: {  	s3 =	simm.s32 @!p0 $0x1082;
	s9 =	sld [smem:$0x3FB7]  }
0x2f: {  	lr =	sadd.s32 s0, s3;
	s0 =	sld [smem:$0x3FAE]  }
0x30: {  	s3 =	sld [smem:$0x3FB1]  }
0x31: {  	[smem:$0x3FBA] =	sst s10  }
0x32: {  	s10 =	sld [smem:$0x3FB8];
	_ =	sdelay $0x3  }
0x33: {  	p0 =	seq.s32 s10, $0x1;
	s10 =	sld [smem:$0x3FBA];
	_ =	sdelay $0x3  }
0x34: {  	[smem:$0x3FBA] =	sst s10  }
0x35: {  	s10 =	sld [smem:$0x3FB9];
	_ =	sdelay $0x3  }
0x36: {  	p1 =	seq.s32 s10, $0x1;
	s10 =	sld [smem:$0x3FBA];
	_ =	sdelay $0x3  }
0x37: {  	[smem:$0x3FBA] =	sst s10  }
0x38: {  	s10 =	sld [smem:$0x3FBB]  }
0x39: {  	_ = 	snop;
	(pc) =	sbr.ind lr, $3  }
0x3a: {  	_ = 	snop  }
0x3b: {  	_ = 	snop  }
0x3c: {  	p2 =	seq.s32 s10, $0x1;
	s10 =	sld [smem:$0x3FBA]  }
0x3d: {  	_ =	shalt  }
0x3e: {  	_ =	shalt  }
0x3f: {  	_ =	shalt  }
0x40: {  	_ =	shalt  }
0x41: {  	_ =	shalt  }
0x42: {  	_ =	shalt  }
0x43: {  	_ =	shalt  }
0x44: {  	_ =	shalt  }
0x45: {  	_ =	shalt  }
0x46: {  	_ =	shalt  }
0x47: {  	_ =	shalt  }
0x48: {  	_ =	shalt  }
0x49: {  	_ =	shalt  }
0x4a: {  	_ =	shalt  }
0x4b: {  	_ =	shalt  }
0x4c: {  	_ =	shalt  }
0x4d: {  	_ =	shalt  }
0x4e: {  	_ =	shalt  }
0x4f: {  	_ =	shalt  }
0x50: {  	_ =	shalt  }
0x51: {  	_ =	shalt  }
0x52: {  	_ =	shalt  }
0x53: {  	_ =	shalt  }
0x54: {  	_ =	shalt  }
0x55: {  	_ =	shalt  }
0x56: {  	_ =	shalt  }
0x57: {  	_ =	shalt  }
0x58: {  	_ =	shalt  }
0x59: {  	_ =	shalt  }
0x5a: {  	_ =	shalt  }
0x5b: {  	_ =	shalt  }
0x5c: {  	_ =	shalt  }
0x5d: {  	_ =	shalt  }
0x5e: {  	_ =	shalt  }
0x5f: {  	_ =	shalt  }
0x60: {  	_ =	shalt  }
0x61: {  	_ =	shalt  }
0x62: {  	_ =	shalt  }
0x63: {  	_ =	shalt  }
0x64: {  	_ =	shalt  }
0x65: {  	_ =	shalt  }
0x66: {  	_ =	shalt  }
0x67: {  	_ =	shalt  }
0x68: {  	_ =	shalt  }
0x69: {  	_ =	shalt  }
0x6a: {  	_ =	shalt  }
0x6b: {  	_ =	shalt  }
0x6c: {  	_ =	shalt  }
0x6d: {  	_ =	shalt  }
0x6e: {  	_ =	shalt  }
0x6f: {  	_ =	shalt  }
0x70: {  	_ =	shalt  }
0x71: {  	_ =	shalt  }
0x72: {  	_ =	shalt  }
0x73: {  	_ =	shalt  }
0x74: {  	_ =	shalt  }
0x75: {  	_ =	shalt  }
0x76: {  	_ =	shalt  }
0x77: {  	_ =	shalt  }
0x78: {  	_ =	shalt  }
0x79: {  	_ =	shalt  }
0x7a: {  	_ =	shalt  }
0x7b: {  	_ =	shalt  }
0x7c: {  	_ =	shalt  }
0x7d: {  	_ =	shalt  }
0x7e: {  	_ =	shalt  }
0x7f: {  	_ =	shalt  }
0x80: {  	_ =	shalt  }
0x81: {  	_ =	shalt  }
0x82: {  	_ =	shalt  }
0x83: {  	_ =	shalt  }
0x84: {  	_ =	shalt  }
0x85: {  	_ =	shalt  }
0x86: {  	_ =	shalt  }
0x87: {  	_ =	shalt  }
.Lfunc_end0:
.L_simem_size_0:
called_computation_lowered:
.L_overlay_start_0:
0x88: {  	s2 =	sld [smem:$0x3FD9]  }
0x89: {  	s3 =	sld [smem:$0x3FFE];
	_ =	sdelay $0x1  }
0x8a: {  	s1 =	srdreg.scid  }
0x8b: {  	s0 =	sand.u32 $0x1, s1  }
0x8c: {  	s18 =	sshll.u32 s0, $0xA;
	s2 =	sadd.s32 s3, s2  }
0x8d: {  	s2 =	sadd.s32 s2, s18  }
0x8e: {  	[smem:$0x3FC6] =	sst s2  }
0x8f: {  	_ = 	snop  }
0x90: {  	s2 =	sld [smem:$0x3FC9]  }
0x91: {  	s19 =	sld [smem:$0x3FC8]  }
0x92: {  	s4 =	sld [smem:$0x3FD0];
	(tm) =	ssettm $0x1  }
0x93: {  	s5 =	sld [smem:$0x3FFB];
	_ =	sdelay $0x3  }
0x94: {  	_ =	strace s5  }
0x95: {  	s5 =	sld [smem:$0x3FFC];
	_ =	sdelay $0x3  }
0x96: {  	_ =	strace s5  }
0x97: {  	s5 =	sld [smem:$0x3FFD];
	_ =	sdelay $0x3  }
0x98: {  	_ =	strace s5  }
0x99: {  	_ =	strace $0x8FFFFFFF  }
0x9a: {  	s20 =	sld [smem:$0x3FDB];
	_ =	sdelay $0x1  }
0x9b: {  	s6 =	simm.s32 $_scs_section_size  }
0x9c: {  	s7 =	simm.s32 $_size__tile_overlayer_lowered;
	s8 =	simm.s32 $_tile_overlayer_lowered  }
0x9d: {  	s23 =	simm.s32 $0x1BFF;
	s22 =	sshll.u32 s8, $0x1;
	s5 =	sadd.s32 s6, s20  }
0x9e: {  	s9 =	simm.s32 $0x0;
	s21 =	sshll.u32 s7, $0x1;
	s7 =	sadd.s32 s22, s5  }
0x9f: {  	[timem:s9], [sflag:s23] =	dma.local [hbm:s7], s21  }
0xa0: {  	_ =	swait.ge [sflag:s23], s21  }
0xa1: {  	s6 =	ssub.s32 $0x0, s21;
	[sflag:s23] =	ssyncset.done $0x0  }
0xa2: {  	[sflag:s23] =	ssyncadd.s32 s6;
	_ =	sdelay $0x1  }
0xa3: {  	s24 =	simm.s32 $0x1B8B  }
0xa4: {  	_ =	swait.ge [sflag:s24], $0x1  }
0xa5: {  	[sflag:s24] =	ssyncset.done $0x0  }
0xa6: {  	s25 =	simm.s32 $0x1B8E;
	[sflag:s24] =	ssyncadd.s32 $0xFFFFFFFF  }
0xa7: {  	s26 =	simm.s32 $execute0_lowered;
	[smem:$0x3FD2] =	sst s25  }
0xa8: {  	s6 =	sshll.u32 s26, $0x1;
	_ =	strace $0x80000046;
	[dreg:$0x1] =	wrdreg $0xFFFFFFFF  }
0xa9: {  	s28 =	simm.s32 $_size_execute0_lowered;
	s5 =	sadd.s32 s5, s6;
	[dreg:$0x0] =	wrdreg $0x0  }
0xaa: {  	s6 =	sshll.u32 s28, $0x1;
	[dreg:$0x2] =	wrdreg s5  }
0xab: {  	[dreg:$0x3] =	wrdreg s6  }
0xac: {  	[dreg:$0x4] =	wrdreg $0xC0  }
0xad: {  	_ =	task [dreg:s9], $0x5FFFF  }
0xae: {  	[dreg:$0x1] =	wrdreg $0xFFFFFFFF  }
0xaf: {  	[dreg:$0x0] =	wrdreg $0x60  }
0xb0: {  	[dreg:$0x2] =	wrdreg s19  }
0xb1: {  	[dreg:$0x3] =	wrdreg s2  }
0xb2: {  	[dreg:$0x4] =	wrdreg s4  }
0xb3: {  	[dreg:$0x5] =	wrdreg $0x9  }
0xb4: {  	_ =	task.clear_ibuf [dreg:s9], $0x6FFFF;
	_ =	strace $0x90000046  }
0xb5: {  	s29 =	simm.s32 $0x9;
	_ =	strace $0x80000048  }
0xb6: {  	_ =	swait.ge [sflag:s29], $0x1  }
0xb7: {  	[sflag:s29] =	ssyncadd.s32 $0xFFFFFFFF  }
0xb8: {  	_ =	strace $0x90000048  }
0xb9: {  	_ =	sfence  }
0xba: {  	s30 =	sld [smem:$0x0];
	_ =	sdelay $0x2  }
0xbb: {  	s31 =	sshll.u32 s1, $0xD;
	s1 =	sshrl.u32 s1, $0x2  }
0xbc: {  	s3 =	sand.u32 $0x4000, s31;
	s1 =	sadd.s32 s1, s30  }
0xbd: {  	s0 =	sor.u32 s3, s0;
	s1 =	sshll.u32 s1, $0x11  }
0xbe: {  	s0 =	sor.u32 s1, s0  }
0xbf: {  	s0 =	sadd.s32 $0x8F2B, s0  }
0xc0: {  	[sflag:s0] =	ssyncadd.remote.s32 $0x1  }
0xc1: {  	_ =	sfence.sel $0xFFFF  }
0xc2: {  	[dreg:$0x0] =	wrdreg $0xFFFFFFFF;
	(pc) =	sbr.abs _section_cstart, $3  }
0xc3: {  	[dreg:$0x1] =	wrdreg $0xFFFFFFFF  }
0xc4: {  	_ =	task.clear_ibuf [dreg:s9], $0x2FFFF;
	_ =	strace $0x9FFFFFFF  }
0xc5: {  	(tm) =	ssettm $0x7FFFFFFF  }
tec
execute0_lowered:
.L_overlay_start_1:
0x0: {  	(tag) =	ssettag $0x1  }
0x1: {  	s1 =	rddreg [dreg:$0x0]  }
0x2: {  	s6 =	rddreg [dreg:$0x1]  }
0x3: {  	s2 =	srdreg.scid;
	s0 =	stileid.u32  }
0x4: {  	s3 =	rddreg [dreg:$0x2];
	s4 =	simm.s32 $0x0;
	s5 =	smul.u32 $0x1900, s0  }
0x5: {  	s7 =	sand.u32 $0x1, s2;
	s2 =	rddreg [dreg:$0x3];
	s10 =	smul.u32 $0x6400, s0  }
0x6: {  	[smem:$0x7FF] =	sst s4;
	s9 =	sshll.u32 s0, $0x1;
	s8 =	smul.u32 $0xC80, s7  }
0x7: {  	s9 =	sor.u32 s7, s9;
	s11 =	smul.u32 $0x3200, s7;
	s7 =	ssub.s32 $0x2, s7  }
0x8: {  	_ =	strace $0x80000047;
	s29 =	sshrl.u32 s7, $0x1;
	s8 =	sadd.s32 s8, s5  }
0x9: {  	s5 =	smul.u32 $0xC80, s9;
	s28 =	sadd.s32 s11, s10;
	s8 =	smin.u32 s8, $0x17A20  }
0xa: {  	s7 =	ssub.s32 s7, s29;
	s9 =	simm.s32 $0xC00;
	s8 =	sshll.u32 s8, $0x2  }
0xb: {  	s10 =	simm.s32 $0x1;
	s30 =	smin.u32 s5, $0x17A20;
	s8 =	ssub.s32 s28, s8  }
0xc: {  	s11 =	simm.s32 $0x0;
	s31 =	sshrl.u32 s30, $0x3;
	s8 =	sshra.s32 s8, $0x2  }
0xd: {  	s7 =	smax.u32 s7, $0x1;
	s6 =	sadd.s32 s6, s31;
	s8 =	sadd.s32 $0xC00, s8  }
.LBB2_1:
0xe: {  	[tilespmem:s4], [sflag:$0x1] =	stream.linear.gather [hbm4b:s1+s4], $0xC00, $0x38;
	[tilespmem:$0x14E00] =	vst v63  }
0xf: {  	_ = 	snop  }
0x10: {  	[tilespmem:s9], [sflag:$0x1] =	stream.linear.gather [hbm4b:s6+s4], $0xC80, $0x38;
	[tilespmem:$0x14E00] =	vst v63  }
0x11: {  	_ =	swait.ge [sflag:s10], $0xC00  }
0x12: {  	[sflag:s10] =	ssyncset.done $0x0  }
0x13: {  	[sflag:s10] =	ssyncadd.s32 $0xFFFFF400  }
0x14: {  	_ =	swait.ge [sflag:s10], $0xC80  }
0x15: {  	s12 =	smov.u32 s8;
	s13 =	simm.s32 $0x0;
	[sflag:s10] =	ssyncset.done $0x0  }
0x16: {  	s14 =	simm.s32 $0x0;
	s15 =	simm.s32 $0x0;
	[sflag:s10] =	ssyncadd.s32 $0xFFFFF380  }
.LBB2_2:
0x17: {  	v6 =	vmov s12;
	_ =	sdelay $0x3  }
0x18: {  	s16 =	simm.s32 $0x0  }
0x19: {  	v0 =	vld.idx.msk [tilespmem:v6+s16+$0x0 ss:$0x1], $0xffff;
	_ =	sdelay $0x4  }
0x1a: {  	vm0 =	vgt.s32 v0, $0x0  }
0x1b: {  	v0 =	vnsel vm0, $0x0, v0  }
0x1c: {  	v7 =	vmin.u32 v0, $0x76;
	_ =	sdelay $0x4  }
0x1d: {  	v0 =	vld.idx.msk [tilespmem:v7+s4+$0x0], $0xffff  }
0x1e: {  	v1 =	vor.u32 $0x80, v7;
	_ =	sdelay $0x1  }
0x1f: {  	s21 =	sand.u32 $0x70, s13;
	s17 =	sand.u32 $0x1FC00, s14  }
0x20: {  	s20 =	sor.u32 s21, s17  }
0x21: {  	[tilespmem:s20+$0x2200] =	vst v0  }
0x22: {  	v0 =	vld.idx.msk [tilespmem:v1+s4+$0x0], $0xffff  }
0x23: {  	v1 =	vor.u32 $0x100, v7  }
0x24: {  	s22 =	simm.s32 $0x10  }
0x25: {  	v2 =	vld.idx.msk [tilespmem:v6+s22+$0x0 ss:$0x1], $0xffff;
	_ =	sdelay $0x1  }
0x26: {  	[tilespmem:s20+$0x2280] =	vst v0  }
0x27: {  	v0 =	vld.idx.msk [tilespmem:v1+s4+$0x0], $0xffff  }
0x28: {  	v3 =	vor.u32 $0x180, v7  }
0x29: {  	vm10 =	vgt.s32 v2, $0x0  }
0x2a: {  	v1 =	vnsel vm10, $0x0, v2  }
0x2b: {  	v1 =	vmin.u32 v1, $0x76  }
0x2c: {  	[tilespmem:s20+$0x2300] =	vst v0  }
0x2d: {  	v0 =	vld.idx.msk [tilespmem:v3+s4+$0x0], $0xffff  }
0x2e: {  	v2 =	vor.u32 $0x200, v7;
	_ =	sdelay $0x1  }
0x2f: {  	v3 =	vld.idx.msk [tilespmem:v1+s4+$0x0], $0xffff  }
0x30: {  	v4 =	vor.u32 $0x80, v1  }
0x31: {  	s18 =	sadd.s32 $0x80, s14;
	s23 =	sadd.s32 $0x10, s13;
	[tilespmem:s20+$0x2380] =	vst v0  }
0x32: {  	s24 =	sand.u32 $0x70, s23;
	s19 =	sand.u32 $0x1FC00, s18;
	v0 =	vld.idx.msk [tilespmem:v2+s4+$0x0], $0xffff  }
0x33: {  	s17 =	sor.u32 s24, s19;
	v2 =	vor.u32 $0x280, v7  }
0x34: {  	[tilespmem:s17+$0x2200] =	vst v3  }
0x35: {  	v3 =	vld.idx.msk [tilespmem:v4+s4+$0x0], $0xffff  }
0x36: {  	v4 =	vor.u32 $0x100, v1  }
0x37: {  	[tilespmem:s20+$0x2400] =	vst v0  }
0x38: {  	s25 =	simm.s32 $0x20;
	v0 =	vld.idx.msk [tilespmem:v2+s4+$0x0], $0xffff  }
0x39: {  	v5 =	vor.u32 $0x300, v7;
	v2 =	vld.idx.msk [tilespmem:v6+s25+$0x0 ss:$0x1], $0xffff  }
0x3a: {  	[tilespmem:s17+$0x2280] =	vst v3  }
0x3b: {  	v3 =	vld.idx.msk [tilespmem:v4+s4+$0x0], $0xffff  }
0x3c: {  	v4 =	vor.u32 $0x180, v1  }
0x3d: {  	[tilespmem:s20+$0x2480] =	vst v0  }
0x3e: {  	vm11 =	vgt.s32 v2, $0x0;
	v5 =	vld.idx.msk [tilespmem:v5+s4+$0x0], $0xffff  }
0x3f: {  	v0 =	vnsel vm11, $0x0, v2;
	v2 =	vor.u32 $0x380, v7  }
0x40: {  	[tilespmem:s17+$0x2300] =	vst v3;
	v0 =	vmin.u32 v0, $0x76  }
0x41: {  	v3 =	vld.idx.msk [tilespmem:v4+s4+$0x0], $0xffff  }
0x42: {  	v4 =	vor.u32 $0x200, v1  }
0x43: {  	[tilespmem:s20+$0x2500] =	vst v5  }
0x44: {  	s26 =	simm.s32 $0x0;
	v2 =	vld.idx.msk [tilespmem:v2+s4+$0x0], $0xffff  }
0x45: {  	s19 =	sand.u32 $0x7, s26;
	v8 =	vor.u32 $0x400, v7;
	v5 =	vld.idx.msk [tilespmem:v0+s4+$0x0], $0xffff  }
0x46: {  	s21 =	sshll.u32 s19, $0x4;
	v9 =	vor.u32 $0x80, v0;
	[tilespmem:s17+$0x2380] =	vst v3  }
0x47: {  	s19 =	sadd.s32 $0x80, s18;
	s30 =	sadd.s32 s21, s14;
	s22 =	sadd.s32 $0x10, s23;
	v3 =	vld.idx.msk [tilespmem:v4+s4+$0x0], $0xffff  }
0x48: {  	s23 =	sand.u32 $0x1FC00, s19;
	s24 =	sor.u32 $0x380, s30;
	s31 =	sand.u32 $0x70, s22;
	v4 =	vor.u32 $0x280, v1  }
0x49: {  	s16 =	sor.u32 s31, s23;
	[tilespmem:s24+$0x2200] =	vst v2  }
0x4a: {  	[tilespmem:s16+$0x2200] =	vst v5;
	v2 =	vld.idx.msk [tilespmem:v8+s4+$0x0], $0xffff  }
0x4b: {  	v5 =	vld.idx.msk [tilespmem:v9+s4+$0x0], $0xffff;
	v8 =	vor.u32 $0x480, v7  }
0x4c: {  	[tilespmem:s17+$0x2400] =	vst v3;
	v9 =	vor.u32 $0x100, v0  }
0x4d: {  	s24 =	simm.s32 $0x30;
	v3 =	vld.idx.msk [tilespmem:v4+s4+$0x0], $0xffff  }
0x4e: {  	v10 =	vor.u32 $0x300, v1;
	v4 =	vld.idx.msk [tilespmem:v6+s24+$0x0 ss:$0x1], $0xffff  }
0x4f: {  	[tilespmem:s20+$0x8600] =	vst v2  }
0x50: {  	[tilespmem:s16+$0x2280] =	vst v5;
	v2 =	vld.idx.msk [tilespmem:v8+s4+$0x0], $0xffff  }
0x51: {  	v5 =	vld.idx.msk [tilespmem:v9+s4+$0x0], $0xffff;
	v8 =	vor.u32 $0x500, v7  }
0x52: {  	[tilespmem:s17+$0x2480] =	vst v3;
	v9 =	vor.u32 $0x180, v0  }
0x53: {  	vm12 =	vgt.s32 v4, $0x0;
	v3 =	vld.idx.msk [tilespmem:v10+s4+$0x0], $0xffff  }
0x54: {  	v4 =	vnsel vm12, $0x0, v4;
	v10 =	vor.u32 $0x380, v1  }
0x55: {  	[tilespmem:s20+$0x8680] =	vst v2;
	v2 =	vmin.u32 v4, $0x76  }
0x56: {  	[tilespmem:s16+$0x2300] =	vst v5;
	v4 =	vld.idx.msk [tilespmem:v8+s4+$0x0], $0xffff  }
0x57: {  	v5 =	vld.idx.msk [tilespmem:v9+s4+$0x0], $0xffff;
	v8 =	vor.u32 $0x580, v7  }
0x58: {  	[tilespmem:s17+$0x2500] =	vst v3;
	v9 =	vor.u32 $0x200, v0  }
0x59: {  	s25 =	simm.s32 $0x1;
	v3 =	vld.idx.msk [tilespmem:v10+s4+$0x0], $0xffff  }
0x5a: {  	v11 =	vor.u32 $0x400, v1;
	s21 =	sand.u32 $0x7, s25;
	v10 =	vld.idx.msk [tilespmem:v2+s4+$0x0], $0xffff  }
0x5b: {  	s26 =	sshll.u32 s21, $0x4;
	[tilespmem:s20+$0x8700] =	vst v4;
	v4 =	vor.u32 $0x80, v2  }
0x5c: {  	s30 =	sadd.s32 $0x10, s22;
	s21 =	sadd.s32 $0x80, s19;
	s18 =	sadd.s32 s26, s18;
	[tilespmem:s16+$0x2380] =	vst v5;
	v5 =	vld.idx.msk [tilespmem:v8+s4+$0x0], $0xffff  }
0x5d: {  	s22 =	sand.u32 $0x70, s30;
	s31 =	sand.u32 $0x1FC00, s21;
	s25 =	sor.u32 $0x380, s18;
	v8 =	vld.idx.msk [tilespmem:v9+s4+$0x0], $0xffff;
	v9 =	vor.u32 $0x600, v7  }
0x5e: {  	s18 =	sor.u32 s22, s31;
	v12 =	vor.u32 $0x280, v0;
	[tilespmem:s25+$0x2200] =	vst v3  }
0x5f: {  	v3 =	vld.idx.msk [tilespmem:v11+s4+$0x0], $0xffff;
	[tilespmem:s18+$0x2200] =	vst v10  }
0x60: {  	v10 =	vor.u32 $0x480, v1;
	v4 =	vld.idx.msk [tilespmem:v4+s4+$0x0], $0xffff  }
0x61: {  	[tilespmem:s20+$0x8780] =	vst v5;
	v5 =	vor.u32 $0x100, v2  }
0x62: {  	[tilespmem:s16+$0x2400] =	vst v8;
	v8 =	vld.idx.msk [tilespmem:v9+s4+$0x0], $0xffff  }
0x63: {  	s23 =	simm.s32 $0x40;
	v11 =	vor.u32 $0x680, v7;
	v9 =	vld.idx.msk [tilespmem:v12+s4+$0x0], $0xffff  }
0x64: {  	v13 =	vor.u32 $0x300, v0;
	[tilespmem:s17+$0x8600] =	vst v3;
	v12 =	vld.idx.msk [tilespmem:v6+s23+$0x0 ss:$0x1], $0xffff  }
0x65: {  	v3 =	vld.idx.msk [tilespmem:v10+s4+$0x0], $0xffff;
	[tilespmem:s18+$0x2280] =	vst v4  }
0x66: {  	v4 =	vld.idx.msk [tilespmem:v5+s4+$0x0], $0xffff;
	v5 =	vor.u32 $0x500, v1  }
0x67: {  	[tilespmem:s20+$0x8800] =	vst v8;
	v8 =	vor.u32 $0x180, v2  }
0x68: {  	[tilespmem:s16+$0x2480] =	vst v9;
	v9 =	vld.idx.msk [tilespmem:v11+s4+$0x0], $0xffff  }
0x69: {  	vm13 =	vgt.s32 v12, $0x0;
	v10 =	vld.idx.msk [tilespmem:v13+s4+$0x0], $0xffff;
	v11 =	vor.u32 $0x700, v7  }
0x6a: {  	v12 =	vnsel vm13, $0x0, v12;
	v13 =	vor.u32 $0x380, v0;
	[tilespmem:s17+$0x8680] =	vst v3  }
0x6b: {  	v3 =	vmin.u32 v12, $0x76;
	[tilespmem:s18+$0x2300] =	vst v4;
	v4 =	vld.idx.msk [tilespmem:v5+s4+$0x0], $0xffff  }
0x6c: {  	v5 =	vld.idx.msk [tilespmem:v8+s4+$0x0], $0xffff;
	v8 =	vor.u32 $0x580, v1  }
0x6d: {  	[tilespmem:s20+$0x8880] =	vst v9;
	v9 =	vor.u32 $0x200, v2  }
0x6e: {  	[tilespmem:s16+$0x2500] =	vst v10;
	v10 =	vld.idx.msk [tilespmem:v11+s4+$0x0], $0xffff  }
0x6f: {  	s25 =	simm.s32 $0x2;
	v12 =	vor.u32 $0x780, v7;
	v11 =	vld.idx.msk [tilespmem:v13+s4+$0x0], $0xffff  }
0x70: {  	v14 =	vor.u32 $0x400, v0;
	s22 =	sand.u32 $0x7, s25;
	v13 =	vld.idx.msk [tilespmem:v3+s4+$0x0], $0xffff;
	[tilespmem:s17+$0x8700] =	vst v4  }
0x71: {  	s26 =	sshll.u32 s22, $0x4;
	v4 =	vor.u32 $0x80, v3;
	[tilespmem:s18+$0x2380] =	vst v5;
	v5 =	vld.idx.msk [tilespmem:v8+s4+$0x0], $0xffff  }
0x72: {  	s22 =	sadd.s32 $0x80, s21;
	s19 =	sadd.s32 s26, s19;
	s23 =	sadd.s32 $0x10, s30;
	v8 =	vld.idx.msk [tilespmem:v9+s4+$0x0], $0xffff;
	v9 =	vor.u32 $0x600, v1  }
0x73: {  	s26 =	sor.u32 $0x380, s19;
	s30 =	sand.u32 $0x1FC00, s22;
	s24 =	sand.u32 $0x70, s23;
	[tilespmem:s20+$0x8900] =	vst v10;
	v10 =	vor.u32 $0x280, v2  }
0x74: {  	s19 =	sor.u32 s24, s30;
	[tilespmem:s26+$0x2200] =	vst v11;
	v11 =	vld.idx.msk [tilespmem:v12+s4+$0x0], $0xffff  }
0x75: {  	[tilespmem:s19+$0x2200] =	vst v13;
	v13 =	vor.u32 $0x800, v7;
	v12 =	vld.idx.msk [tilespmem:v14+s4+$0x0], $0xffff  }
0x76: {  	v14 =	vor.u32 $0x480, v0;
	v4 =	vld.idx.msk [tilespmem:v4+s4+$0x0], $0xffff;
	[tilespmem:s17+$0x8780] =	vst v5  }
0x77: {  	v5 =	vor.u32 $0x100, v3;
	[tilespmem:s18+$0x2400] =	vst v8;
	v8 =	vld.idx.msk [tilespmem:v9+s4+$0x0], $0xffff  }
0x78: {  	s31 =	simm.s32 $0x50;
	v9 =	vld.idx.msk [tilespmem:v10+s4+$0x0], $0xffff;
	v10 =	vor.u32 $0x680, v1  }
0x79: {  	v15 =	vld.idx.msk [tilespmem:v6+s31+$0x0 ss:$0x1], $0xffff;
	[tilespmem:s20+$0x8980] =	vst v11;
	v11 =	vor.u32 $0x300, v2  }
0x7a: {  	[tilespmem:s16+$0x8600] =	vst v12;
	v12 =	vld.idx.msk [tilespmem:v13+s4+$0x0], $0xffff  }
0x7b: {  	[tilespmem:s19+$0x2280] =	vst v4;
	v4 =	vld.idx.msk [tilespmem:v14+s4+$0x0], $0xffff;
	v13 =	vor.u32 $0x880, v7  }
0x7c: {  	v14 =	vor.u32 $0x500, v0;
	v5 =	vld.idx.msk [tilespmem:v5+s4+$0x0], $0xffff;
	[tilespmem:s17+$0x8800] =	vst v8  }
0x7d: {  	v8 =	vor.u32 $0x180, v3;
	[tilespmem:s18+$0x2480] =	vst v9;
	v9 =	vld.idx.msk [tilespmem:v10+s4+$0x0], $0xffff  }
0x7e: {  	vm14 =	vgt.s32 v15, $0x0;
	s25 =	simm.s32 $0x60;
	v10 =	vld.idx.msk [tilespmem:v11+s4+$0x0], $0xffff;
	v11 =	vor.u32 $0x700, v1  }
0x7f: {  	v16 =	vld.idx.msk [tilespmem:v6+s25+$0x0 ss:$0x1], $0xffff;
	[tilespmem:s20+$0xEA00] =	vst v12;
	v12 =	vnsel vm14, $0x0, v15;
	v15 =	vor.u32 $0x380, v2  }
0x80: {  	[tilespmem:s16+$0x8680] =	vst v4;
	v13 =	vld.idx.msk [tilespmem:v13+s4+$0x0], $0xffff;
	v4 =	vmin.u32 v12, $0x76  }
0x81: {  	[tilespmem:s19+$0x2300] =	vst v5;
	v5 =	vld.idx.msk [tilespmem:v14+s4+$0x0], $0xffff;
	v12 =	vor.u32 $0x900, v7  }
0x82: {  	v14 =	vor.u32 $0x580, v0;
	v8 =	vld.idx.msk [tilespmem:v8+s4+$0x0], $0xffff;
	[tilespmem:s17+$0x8880] =	vst v9  }
0x83: {  	v9 =	vor.u32 $0x200, v3;
	[tilespmem:s18+$0x2500] =	vst v10;
	v10 =	vld.idx.msk [tilespmem:v11+s4+$0x0], $0xffff  }
0x84: {  	s26 =	simm.s32 $0x3;
	v11 =	vld.idx.msk [tilespmem:v15+s4+$0x0], $0xffff;
	v15 =	vor.u32 $0x780, v1  }
0x85: {  	s24 =	sand.u32 $0x7, s26;
	v17 =	vld.idx.msk [tilespmem:v4+s4+$0x0], $0xffff;
	[tilespmem:s20+$0xEA80] =	vst v13;
	v13 =	vor.u32 $0x400, v2  }
0x86: {  	s30 =	sshll.u32 s24, $0x4;
	[tilespmem:s16+$0x8700] =	vst v5;
	v5 =	vld.idx.msk [tilespmem:v12+s4+$0x0], $0xffff;
	v12 =	vor.u32 $0x80, v4  }
0x87: {  	s26 =	sadd.s32 $0x10, s23;
	s24 =	sadd.s32 $0x80, s22;
	s21 =	sadd.s32 s30, s21;
	[tilespmem:s19+$0x2380] =	vst v8;
	v8 =	vld.idx.msk [tilespmem:v14+s4+$0x0], $0xffff;
	v14 =	vor.u32 $0x980, v7  }
0x88: {  	v18 =	vor.u32 $0x600, v0;
	s23 =	sand.u32 $0x70, s26;
	s31 =	sand.u32 $0x1FC00, s24;
	s28 =	sor.u32 $0x380, s21;
	v9 =	vld.idx.msk [tilespmem:v9+s4+$0x0], $0xffff;
	[tilespmem:s17+$0x8900] =	vst v10  }
0x89: {  	s21 =	sor.u32 s23, s31;
	v10 =	vor.u32 $0x280, v3;
	[tilespmem:s28+$0x2200] =	vst v11;
	v11 =	vld.idx.msk [tilespmem:v15+s4+$0x0], $0xffff  }
0x8a: {  	v15 =	vor.u32 $0x800, v1;
	[tilespmem:s21+$0x2200] =	vst v17;
	v13 =	vld.idx.msk [tilespmem:v13+s4+$0x0], $0xffff  }
0x8b: {  	v12 =	vld.idx.msk [tilespmem:v12+s4+$0x0], $0xffff;
	[tilespmem:s20+$0xEB00] =	vst v5;
	v5 =	vor.u32 $0x480, v2  }
0x8c: {  	[tilespmem:s16+$0x8780] =	vst v8;
	v8 =	vld.idx.msk [tilespmem:v14+s4+$0x0], $0xffff;
	v14 =	vor.u32 $0x100, v4  }
0x8d: {  	[tilespmem:s19+$0x2400] =	vst v9;
	v9 =	vld.idx.msk [tilespmem:v18+s4+$0x0], $0xffff  }
0x8e: {  	v17 =	vor.u32 $0xA00, v7;
	v10 =	vld.idx.msk [tilespmem:v10+s4+$0x0], $0xffff;
	[tilespmem:s17+$0x8980] =	vst v11  }
0x8f: {  	v18 =	vor.u32 $0x680, v0;
	[tilespmem:s18+$0x8600] =	vst v13;
	v13 =	vld.idx.msk [tilespmem:v15+s4+$0x0], $0xffff  }
0x90: {  	v11 =	vor.u32 $0x300, v3;
	[tilespmem:s21+$0x2280] =	vst v12;
	v5 =	vld.idx.msk [tilespmem:v5+s4+$0x0], $0xffff  }
0x91: {  	s30 =	simm.s32 $0x70;
	v12 =	vld.idx.msk [tilespmem:v14+s4+$0x0], $0xffff;
	v14 =	vor.u32 $0x880, v1  }
0x92: {  	v15 =	vor.u32 $0x500, v2;
	[tilespmem:s20+$0xEB80] =	vst v8;
	v8 =	vld.idx.msk [tilespmem:v6+s30+$0x0 ss:$0x1], $0xffff  }
0x93: {  	[tilespmem:s16+$0x8800] =	vst v9;
	v9 =	vld.idx.msk [tilespmem:v17+s4+$0x0], $0xffff;
	v17 =	vor.u32 $0x180, v4  }
0x94: {  	[tilespmem:s19+$0x2480] =	vst v10;
	v10 =	vld.idx.msk [tilespmem:v18+s4+$0x0], $0xffff;
	v18 =	vor.u32 $0xA80, v7  }
0x95: {  	v19 =	vor.u32 $0x700, v0;
	vm15 =	vgt.s32 v16, $0x0;
	v11 =	vld.idx.msk [tilespmem:v11+s4+$0x0], $0xffff;
	[tilespmem:s17+$0xEA00] =	vst v13  }
0x96: {  	v13 =	vnsel vm15, $0x0, v16;
	v16 =	vor.u32 $0x380, v3;
	[tilespmem:s18+$0x8680] =	vst v5;
	v14 =	vld.idx.msk [tilespmem:v14+s4+$0x0], $0xffff  }
0x97: {  	v5 =	vmin.u32 v13, $0x76;
	[tilespmem:s21+$0x2300] =	vst v12;
	v12 =	vld.idx.msk [tilespmem:v15+s4+$0x0], $0xffff  }
0x98: {  	v15 =	vor.u32 $0x900, v1;
	v13 =	vld.idx.msk [tilespmem:v17+s4+$0x0], $0xffff;
	[tilespmem:s20+$0xEC00] =	vst v9  }
0x99: {  	v9 =	vor.u32 $0x580, v2;
	[tilespmem:s16+$0x8880] =	vst v10;
	v10 =	vld.idx.msk [tilespmem:v18+s4+$0x0], $0xffff  }
0x9a: {  	v17 =	vor.u32 $0x200, v4;
	[tilespmem:s19+$0x2500] =	vst v11;
	v11 =	vld.idx.msk [tilespmem:v19+s4+$0x0], $0xffff  }
0x9b: {  	s25 =	simm.s32 $0x4;
	v18 =	vor.u32 $0xB00, v7;
	v16 =	vld.idx.msk [tilespmem:v16+s4+$0x0], $0xffff;
	[tilespmem:s17+$0xEA80] =	vst v14  }
0x9c: {  	v20 =	vor.u32 $0x780, v0;
	s31 =	sand.u32 $0x7, s25;
	v19 =	vld.idx.msk [tilespmem:v5+s4+$0x0], $0xffff;
	[tilespmem:s18+$0x8700] =	vst v12  }
0x9d: {  	s29 =	sshll.u32 s31, $0x4;
	v14 =	vor.u32 $0x400, v3;
	v12 =	vld.idx.msk [tilespmem:v15+s4+$0x0], $0xffff;
	[tilespmem:s21+$0x2380] =	vst v13  }
0x9e: {  	s23 =	sadd.s32 $0x80, s24;
	s22 =	sadd.s32 s29, s22;
	s28 =	sadd.s32 $0x10, s26;
	v15 =	vor.u32 $0x80, v5;
	v9 =	vld.idx.msk [tilespmem:v9+s4+$0x0], $0xffff;
	[tilespmem:s20+$0xEC80] =	vst v10  }
0x9f: {  	v21 =	vor.u32 $0x980, v1;
	s29 =	sand.u32 $0x1FC00, s23;
	s26 =	sand.u32 $0x70, s28;
	s30 =	sor.u32 $0x380, s22;
	v13 =	vld.idx.msk [tilespmem:v17+s4+$0x0], $0xffff;
	[tilespmem:s16+$0x8900] =	vst v11  }
0xa0: {  	s22 =	sor.u32 s26, s29;
	v10 =	vor.u32 $0x600, v2;
	v18 =	vld.idx.msk [tilespmem:v18+s4+$0x0], $0xffff;
	[tilespmem:s30+$0x2200] =	vst v16  }
0xa1: {  	v22 =	vor.u32 $0x280, v4;
	v20 =	vld.idx.msk [tilespmem:v20+s4+$0x0], $0xffff;
	[tilespmem:s22+$0x2200] =	vst v19  }
0xa2: {  	v19 =	vor.u32 $0xB80, v7;
	v14 =	vld.idx.msk [tilespmem:v14+s4+$0x0], $0xffff;
	[tilespmem:s17+$0xEB00] =	vst v12  }
0xa3: {  	v11 =	vor.u32 $0x800, v0;
	v17 =	vld.idx.msk [tilespmem:v15+s4+$0x0], $0xffff;
	[tilespmem:s18+$0x8780] =	vst v9  }
0xa4: {  	v15 =	vor.u32 $0x480, v3;
	v12 =	vld.idx.msk [tilespmem:v21+s4+$0x0], $0xffff;
	[tilespmem:s21+$0x2400] =	vst v13  }
0xa5: {  	v13 =	vld.idx.msk [tilespmem:v10+s4+$0x0], $0xffff;
	[tilespmem:s20+$0xED00] =	vst v18;
	v18 =	vor.u32 $0x100, v5  }
0xa6: {  	v9 =	vor.u32 $0xA00, v1;
	v16 =	vld.idx.msk [tilespmem:v22+s4+$0x0], $0xffff  }
0xa7: {  	s29 =	simm.s32 $0x200;
	s26 =	smov.u32 s23;
	v7 =	vor.u32 $0x680, v2;
	[tilespmem:s16+$0x8980] =	vst v20;
	v10 =	vld.idx.msk [tilespmem:v19+s4+$0x0], $0xffff  }
.LBB2_3:
0xa8: {  	p0 =	sne.s32 s29, $0x9C0;
	v19 =	vor.u32 $0x300, v4;
	[tilespmem:s19+$0x8600] =	vst v14;
	v11 =	vld.idx.msk [tilespmem:v11+s4+$0x0], $0xffff  }
0xa9: {  	[tilespmem:s22+$0x2280] =	vst v17;
	v14 =	vld.idx.msk [tilespmem:v15+s4+$0x0], $0xffff  }
0xaa: {  	v17 =	vor.u32 $0x880, v0;
	v15 =	vld.idx.msk [tilespmem:v18+s4+$0x0], $0xffff;
	[tilespmem:s17+$0xEB80] =	vst v12  }
0xab: {  	v12 =	vor.u32 $0x500, v3;
	[tilespmem:s18+$0x8800] =	vst v13;
	v9 =	vld.idx.msk [tilespmem:v9+s4+$0x0], $0xffff  }
0xac: {  	v13 =	vor.u32 $0x180, v5;
	[tilespmem:s21+$0x2480] =	vst v16;
	v7 =	vld.idx.msk [tilespmem:v7+s4+$0x0], $0xffff  }
0xad: {  	s30 =	sshra.s32 s29, $0x2;
	v18 =	vor.u32 $0xA80, v1;
	v16 =	vld.idx.msk [tilespmem:v19+s4+$0x0], $0xffff;
	[tilespmem:s20+$0xED80] =	vst v10;
	s20 =	smov.u32 s17;
	s17 =	smov.u32 s16  }
0xae: {  	vm0 =	vgt.s32 v8, $0x0;
	v19 =	vor.u32 $0x700, v2;
	s16 =	smov.u32 s18;
	s18 =	smov.u32 s19;
	s19 =	smov.u32 s21;
	v10 =	vld.idx.msk [tilespmem:v6+s30+$0x0 ss:$0x1], $0xffff;
	[tilespmem:s17+$0xEA00] =	vst v11  }
0xaf: {  	v8 =	vnsel vm0, $0x0, v8;
	s21 =	smov.u32 s22;
	v11 =	vor.u32 $0x380, v4;
	[tilespmem:s18+$0x8680] =	vst v14;
	v14 =	vld.idx.msk [tilespmem:v17+s4+$0x0], $0xffff  }
0xb0: {  	v20 =	vmin.u32 v8, $0x76;
	[tilespmem:s21+$0x2300] =	vst v15;
	v12 =	vld.idx.msk [tilespmem:v12+s4+$0x0], $0xffff  }
0xb1: {  	v15 =	vor.u32 $0x900, v0;
	v13 =	vld.idx.msk [tilespmem:v13+s4+$0x0], $0xffff;
	[tilespmem:s20+$0xEC00] =	vst v9  }
0xb2: {  	v9 =	vor.u32 $0x580, v3;
	[tilespmem:s16+$0x8880] =	vst v7;
	v7 =	vld.idx.msk [tilespmem:v18+s4+$0x0], $0xffff  }
0xb3: {  	v17 =	vor.u32 $0x200, v5;
	[tilespmem:s19+$0x2500] =	vst v16;
	v16 =	vld.idx.msk [tilespmem:v19+s4+$0x0], $0xffff  }
0xb4: {  	v18 =	vor.u32 $0xB00, v1;
	v8 =	vmov v10;
	v11 =	vld.idx.msk [tilespmem:v11+s4+$0x0], $0xffff  }
0xb5: {  	s25 =	sadd.s32 $0x1, s25;
	v19 =	vor.u32 $0x780, v2;
	v10 =	vld.idx.msk [tilespmem:v20+s4+$0x0], $0xffff;
	[tilespmem:s17+$0xEA80] =	vst v14  }
0xb6: {  	s22 =	sand.u32 $0x7, s25;
	v14 =	vor.u32 $0x400, v4;
	[tilespmem:s18+$0x8700] =	vst v12;
	v12 =	vld.idx.msk [tilespmem:v15+s4+$0x0], $0xffff  }
0xb7: {  	s22 =	sshll.u32 s22, $0x4;
	v15 =	vor.u32 $0x80, v20;
	[tilespmem:s21+$0x2380] =	vst v13;
	v9 =	vld.idx.msk [tilespmem:v9+s4+$0x0], $0xffff  }
0xb8: {  	s23 =	sadd.s32 $0x80, s23;
	s28 =	sadd.s32 $0x10, s28;
	v21 =	vor.u32 $0x980, v0;
	s22 =	sadd.s32 s22, s24;
	v13 =	vld.idx.msk [tilespmem:v17+s4+$0x0], $0xffff;
	[tilespmem:s20+$0xEC80] =	vst v7  }
0xb9: {  	s30 =	sand.u32 $0x1FC00, s23;
	s24 =	sand.u32 $0x70, s28;
	s31 =	sor.u32 $0x380, s22;
	v7 =	vor.u32 $0x600, v3;
	[tilespmem:s16+$0x8900] =	vst v16;
	v22 =	vld.idx.msk [tilespmem:v18+s4+$0x0], $0xffff  }
0xba: {  	s22 =	sor.u32 s24, s30;
	s24 =	smov.u32 s26;
	s26 =	smov.u32 s23;
	v16 =	vor.u32 $0x280, v5;
	[tilespmem:s31+$0x2200] =	vst v11;
	v19 =	vld.idx.msk [tilespmem:v19+s4+$0x0], $0xffff  }
0xbb: {  	[tilespmem:s22+$0x2200] =	vst v10;
	v14 =	vld.idx.msk [tilespmem:v14+s4+$0x0], $0xffff;
	v10 =	vor.u32 $0xB80, v1;
	v1 =	vmovc v0;
	v0 =	vmovc v2;
	v2 =	vmov v3;
	v3 =	vmov v4  }
.Ltmp0:
0xbc: {  	v4 =	vmov v5;
	v5 =	vmov v20;
	v17 =	vld.idx.msk [tilespmem:v15+s4+$0x0], $0xffff;
	v11 =	vor.u32 $0x800, v0;
	[tilespmem:s17+$0xEB00] =	vst v12;
	(pc) =	sbr.rel @p0 .LBB2_3-.Ltmp0, $4  }
0xbd: {  	v15 =	vor.u32 $0x480, v3;
	[tilespmem:s18+$0x8780] =	vst v9;
	v12 =	vld.idx.msk [tilespmem:v21+s4+$0x0], $0xffff  }
0xbe: {  	v18 =	vor.u32 $0x100, v5;
	[tilespmem:s21+$0x2400] =	vst v13;
	v13 =	vld.idx.msk [tilespmem:v7+s4+$0x0], $0xffff  }
0xbf: {  	v9 =	vor.u32 $0xA00, v1;
	v16 =	vld.idx.msk [tilespmem:v16+s4+$0x0], $0xffff;
	[tilespmem:s20+$0xED00] =	vst v22  }
0xc0: {  	s29 =	sadd.s32 $0x40, s29;
	v7 =	vor.u32 $0x680, v2;
	[tilespmem:s16+$0x8980] =	vst v19;
	v10 =	vld.idx.msk [tilespmem:v10+s4+$0x0], $0xffff  }
0xc1: {  	vm0 =	vgt.s32 v8, $0x0  }
0xc2: {  	v6 =	vnsel vm0, $0x0, v8  }
0xc3: {  	v6 =	vmin.u32 v6, $0x76;
	_ =	sdelay $0x4  }
0xc4: {  	v40 =	vld.idx.msk [tilespmem:v6+s4+$0x0], $0xffff  }
0xc5: {  	v19 =	vor.u32 $0x80, v6  }
0xc6: {  	s29 =	sadd.s32 $0x80, s23;
	s28 =	sadd.s32 $0x10, s28  }
0xc7: {  	s23 =	sand.u32 $0x70, s28;
	s30 =	sand.u32 $0x1FC00, s29  }
0xc8: {  	s23 =	sor.u32 s23, s30  }
0xc9: {  	[tilespmem:s23+$0x2200] =	vst v40  }
0xca: {  	v8 =	vld.idx.msk [tilespmem:v19+s4+$0x0], $0xffff  }
0xcb: {  	v41 =	vor.u32 $0x100, v6;
	_ =	sdelay $0x2  }
0xcc: {  	[tilespmem:s22+$0x2280] =	vst v17  }
0xcd: {  	v17 =	vld.idx.msk [tilespmem:v18+s4+$0x0], $0xffff;
	[tilespmem:s23+$0x2280] =	vst v8  }
0xce: {  	v42 =	vor.u32 $0x180, v5;
	v43 =	vld.idx.msk [tilespmem:v41+s4+$0x0], $0xffff  }
0xcf: {  	v44 =	vor.u32 $0x180, v6;
	_ =	sdelay $0x2  }
0xd0: {  	[tilespmem:s22+$0x2300] =	vst v17  }
0xd1: {  	v8 =	vld.idx.msk [tilespmem:v42+s4+$0x0], $0xffff;
	[tilespmem:s23+$0x2300] =	vst v43  }
0xd2: {  	v45 =	vor.u32 $0x200, v5;
	v18 =	vld.idx.msk [tilespmem:v44+s4+$0x0], $0xffff  }
0xd3: {  	v46 =	vor.u32 $0x200, v6;
	_ =	sdelay $0x2  }
0xd4: {  	[tilespmem:s22+$0x2380] =	vst v8  }
0xd5: {  	v8 =	vld.idx.msk [tilespmem:v45+s4+$0x0], $0xffff;
	[tilespmem:s23+$0x2380] =	vst v18  }
0xd6: {  	v47 =	vor.u32 $0x280, v5;
	v18 =	vld.idx.msk [tilespmem:v46+s4+$0x0], $0xffff  }
0xd7: {  	v48 =	vor.u32 $0x280, v6;
	_ =	sdelay $0x2  }
0xd8: {  	[tilespmem:s22+$0x2400] =	vst v8  }
0xd9: {  	v49 =	vor.u32 $0x300, v4;
	v17 =	vld.idx.msk [tilespmem:v47+s4+$0x0], $0xffff;
	[tilespmem:s23+$0x2400] =	vst v18  }
0xda: {  	v50 =	vor.u32 $0x300, v5;
	v19 =	vld.idx.msk [tilespmem:v48+s4+$0x0], $0xffff  }
0xdb: {  	v20 =	vor.u32 $0x300, v6;
	_ =	sdelay $0x1  }
0xdc: {  	[tilespmem:s21+$0x2480] =	vst v16  }
0xdd: {  	v8 =	vld.idx.msk [tilespmem:v49+s4+$0x0], $0xffff;
	[tilespmem:s22+$0x2480] =	vst v17  }
0xde: {  	v51 =	vor.u32 $0x380, v4;
	v17 =	vld.idx.msk [tilespmem:v50+s4+$0x0], $0xffff;
	[tilespmem:s23+$0x2480] =	vst v19  }
0xdf: {  	v52 =	vor.u32 $0x380, v5;
	v19 =	vld.idx.msk [tilespmem:v20+s4+$0x0], $0xffff  }
0xe0: {  	v53 =	vor.u32 $0x380, v6;
	_ =	sdelay $0x1  }
0xe1: {  	[tilespmem:s21+$0x2500] =	vst v8  }
0xe2: {  	s25 =	sadd.s32 $0x1, s25;
	v8 =	vld.idx.msk [tilespmem:v51+s4+$0x0], $0xffff;
	[tilespmem:s22+$0x2500] =	vst v17  }
0xe3: {  	v54 =	vor.u32 $0x400, v4;
	s31 =	sand.u32 $0x7, s25;
	s25 =	sadd.s32 $0x1, s25;
	v17 =	vld.idx.msk [tilespmem:v52+s4+$0x0], $0xffff;
	[tilespmem:s23+$0x2500] =	vst v19  }
0xe4: {  	v55 =	vor.u32 $0x400, v5;
	s28 =	sshll.u32 s31, $0x4;
	s30 =	sand.u32 $0x7, s25;
	s25 =	sadd.s32 $0x1, s25;
	v19 =	vld.idx.msk [tilespmem:v53+s4+$0x0], $0xffff  }
0xe5: {  	s24 =	sadd.s32 s28, s24;
	s30 =	sshll.u32 s30, $0x4;
	s25 =	sand.u32 $0x7, s25;
	v56 =	vor.u32 $0x400, v6  }
0xe6: {  	s26 =	sadd.s32 s30, s26;
	s24 =	sor.u32 $0x380, s24;
	s25 =	sshll.u32 s25, $0x4  }
0xe7: {  	s31 =	sor.u32 $0x380, s26;
	s25 =	sadd.s32 s25, s29;
	[tilespmem:s24+$0x2200] =	vst v8  }
0xe8: {  	s25 =	sor.u32 $0x380, s25;
	v8 =	vld.idx.msk [tilespmem:v54+s4+$0x0], $0xffff;
	[tilespmem:s31+$0x2200] =	vst v17  }
0xe9: {  	v57 =	vor.u32 $0x480, v4;
	v17 =	vld.idx.msk [tilespmem:v55+s4+$0x0], $0xffff;
	[tilespmem:s25+$0x2200] =	vst v19  }
0xea: {  	v58 =	vor.u32 $0x480, v5;
	v19 =	vld.idx.msk [tilespmem:v56+s4+$0x0], $0xffff  }
0xeb: {  	v59 =	vor.u32 $0x480, v6  }
0xec: {  	[tilespmem:s19+$0x8600] =	vst v14  }
0xed: {  	v14 =	vld.idx.msk [tilespmem:v15+s4+$0x0], $0xffff;
	[tilespmem:s21+$0x8600] =	vst v8  }
0xee: {  	v60 =	vor.u32 $0x500, v3;
	v61 =	vld.idx.msk [tilespmem:v57+s4+$0x0], $0xffff;
	[tilespmem:s22+$0x8600] =	vst v17  }
0xef: {  	v62 =	vor.u32 $0x500, v4;
	v17 =	vld.idx.msk [tilespmem:v58+s4+$0x0], $0xffff;
	[tilespmem:s23+$0x8600] =	vst v19  }
0xf0: {  	v63 =	vor.u32 $0x500, v5;
	v19 =	vld.idx.msk [tilespmem:v59+s4+$0x0], $0xffff  }
0xf1: {  	v24 =	vor.u32 $0x500, v6  }
0xf2: {  	[tilespmem:s19+$0x8680] =	vst v14  }
0xf3: {  	v8 =	vld.idx.msk [tilespmem:v60+s4+$0x0], $0xffff;
	[tilespmem:s21+$0x8680] =	vst v61  }
0xf4: {  	v25 =	vor.u32 $0x580, v3;
	v15 =	vld.idx.msk [tilespmem:v62+s4+$0x0], $0xffff;
	[tilespmem:s22+$0x8680] =	vst v17  }
0xf5: {  	v26 =	vor.u32 $0x580, v4;
	v17 =	vld.idx.msk [tilespmem:v63+s4+$0x0], $0xffff;
	[tilespmem:s23+$0x8680] =	vst v19  }
0xf6: {  	v27 =	vor.u32 $0x580, v5;
	v19 =	vld.idx.msk [tilespmem:v24+s4+$0x0], $0xffff  }
0xf7: {  	v28 =	vor.u32 $0x580, v6  }
0xf8: {  	[tilespmem:s19+$0x8700] =	vst v8  }
0xf9: {  	v8 =	vld.idx.msk [tilespmem:v25+s4+$0x0], $0xffff;
	[tilespmem:s21+$0x8700] =	vst v15  }
0xfa: {  	v29 =	vor.u32 $0x600, v3;
	v15 =	vld.idx.msk [tilespmem:v26+s4+$0x0], $0xffff;
	[tilespmem:s22+$0x8700] =	vst v17  }
0xfb: {  	v30 =	vor.u32 $0x600, v4;
	v17 =	vld.idx.msk [tilespmem:v27+s4+$0x0], $0xffff;
	[tilespmem:s23+$0x8700] =	vst v19  }
0xfc: {  	v31 =	vor.u32 $0x600, v5;
	[tilespmem:s17+$0xEB80] =	vst v12;
	v32 =	vld.idx.msk [tilespmem:v28+s4+$0x0], $0xffff  }
0xfd: {  	[tilespmem:s18+$0x8800] =	vst v13;
	v33 =	vor.u32 $0x600, v6  }
0xfe: {  	v11 =	vld.idx.msk [tilespmem:v11+s4+$0x0], $0xffff;
	[tilespmem:s19+$0x8780] =	vst v8  }
0xff: {  	v8 =	vld.idx.msk [tilespmem:v29+s4+$0x0], $0xffff;
	[tilespmem:s21+$0x8780] =	vst v15  }
0x100: {  	v34 =	vor.u32 $0x680, v3;
	v15 =	vld.idx.msk [tilespmem:v30+s4+$0x0], $0xffff;
	[tilespmem:s22+$0x8780] =	vst v17  }
0x101: {  	v35 =	vor.u32 $0x680, v4;
	v12 =	vld.idx.msk [tilespmem:v31+s4+$0x0], $0xffff;
	[tilespmem:s23+$0x8780] =	vst v32  }
0x102: {  	v36 =	vor.u32 $0x680, v5;
	[tilespmem:s20+$0xED80] =	vst v10;
	v13 =	vld.idx.msk [tilespmem:v33+s4+$0x0], $0xffff  }
0x103: {  	v9 =	vld.idx.msk [tilespmem:v9+s4+$0x0], $0xffff;
	v37 =	vor.u32 $0x680, v6;
	[tilespmem:s16+$0xEA00] =	vst v11  }
0x104: {  	v38 =	vor.u32 $0x880, v0;
	v7 =	vld.idx.msk [tilespmem:v7+s4+$0x0], $0xffff;
	[tilespmem:s19+$0x8800] =	vst v8  }
0x105: {  	v39 =	vor.u32 $0x700, v2;
	v14 =	vld.idx.msk [tilespmem:v34+s4+$0x0], $0xffff;
	[tilespmem:s21+$0x8800] =	vst v15  }
0x106: {  	v40 =	vor.u32 $0x700, v3;
	v16 =	vld.idx.msk [tilespmem:v35+s4+$0x0], $0xffff;
	[tilespmem:s22+$0x8800] =	vst v12  }
0x107: {  	v41 =	vor.u32 $0x700, v4;
	v10 =	vld.idx.msk [tilespmem:v36+s4+$0x0], $0xffff;
	[tilespmem:s23+$0x8800] =	vst v13  }
0x108: {  	[tilespmem:s17+$0xEC00] =	vst v9;
	v42 =	vor.u32 $0x700, v5;
	v11 =	vld.idx.msk [tilespmem:v37+s4+$0x0], $0xffff  }
0x109: {  	[tilespmem:s18+$0x8880] =	vst v7;
	v43 =	vld.idx.msk [tilespmem:v38+s4+$0x0], $0xffff;
	v44 =	vor.u32 $0x700, v6  }
0x10a: {  	v45 =	vor.u32 $0xA80, v1;
	v8 =	vld.idx.msk [tilespmem:v39+s4+$0x0], $0xffff;
	[tilespmem:s19+$0x8880] =	vst v14  }
0x10b: {  	v46 =	vor.u32 $0x780, v2;
	v15 =	vld.idx.msk [tilespmem:v40+s4+$0x0], $0xffff;
	[tilespmem:s21+$0x8880] =	vst v16  }
0x10c: {  	v47 =	vor.u32 $0x780, v3;
	v12 =	vld.idx.msk [tilespmem:v41+s4+$0x0], $0xffff;
	[tilespmem:s22+$0x8880] =	vst v10  }
0x10d: {  	v48 =	vor.u32 $0x780, v4;
	v9 =	vld.idx.msk [tilespmem:v42+s4+$0x0], $0xffff;
	[tilespmem:s23+$0x8880] =	vst v11  }
0x10e: {  	[tilespmem:s16+$0xEA80] =	vst v43;
	v49 =	vor.u32 $0x780, v5;
	v7 =	vld.idx.msk [tilespmem:v44+s4+$0x0], $0xffff  }
0x10f: {  	v51 =	vor.u32 $0x780, v6;
	v50 =	vld.idx.msk [tilespmem:v45+s4+$0x0], $0xffff;
	[tilespmem:s18+$0x8900] =	vst v8  }
0x110: {  	v52 =	vor.u32 $0x900, v0;
	v14 =	vld.idx.msk [tilespmem:v46+s4+$0x0], $0xffff;
	[tilespmem:s19+$0x8900] =	vst v15  }
0x111: {  	v53 =	vor.u32 $0x800, v2;
	v16 =	vld.idx.msk [tilespmem:v47+s4+$0x0], $0xffff;
	[tilespmem:s21+$0x8900] =	vst v12  }
0x112: {  	v54 =	vor.u32 $0x800, v3;
	v10 =	vld.idx.msk [tilespmem:v48+s4+$0x0], $0xffff;
	[tilespmem:s22+$0x8900] =	vst v9  }
0x113: {  	v55 =	vor.u32 $0x800, v4;
	v11 =	vld.idx.msk [tilespmem:v49+s4+$0x0], $0xffff;
	[tilespmem:s23+$0x8900] =	vst v7  }
0x114: {  	[tilespmem:s17+$0xEC80] =	vst v50;
	v56 =	vor.u32 $0x800, v5;
	v8 =	vld.idx.msk [tilespmem:v51+s4+$0x0], $0xffff  }
0x115: {  	v57 =	vld.idx.msk [tilespmem:v52+s4+$0x0], $0xffff;
	v58 =	vor.u32 $0x800, v6;
	[tilespmem:s18+$0x8980] =	vst v14  }
0x116: {  	v23 =	vor.u32 $0x980, v0;
	v15 =	vld.idx.msk [tilespmem:v53+s4+$0x0], $0xffff;
	[tilespmem:s19+$0x8980] =	vst v16  }
0x117: {  	v60 =	vor.u32 $0x880, v2;
	v12 =	vld.idx.msk [tilespmem:v54+s4+$0x0], $0xffff;
	[tilespmem:s21+$0x8980] =	vst v10  }
0x118: {  	v61 =	vor.u32 $0x880, v3;
	v9 =	vld.idx.msk [tilespmem:v55+s4+$0x0], $0xffff;
	[tilespmem:s22+$0x8980] =	vst v11  }
0x119: {  	v62 =	vor.u32 $0x880, v4;
	v7 =	vld.idx.msk [tilespmem:v56+s4+$0x0], $0xffff;
	[tilespmem:s23+$0x8980] =	vst v8  }
0x11a: {  	[tilespmem:s16+$0xEB00] =	vst v57;
	v63 =	vor.u32 $0x880, v5;
	v20 =	vld.idx.msk [tilespmem:v58+s4+$0x0], $0xffff  }
0x11b: {  	v22 =	vor.u32 $0x880, v6;
	v29 =	vld.idx.msk [tilespmem:v23+s4+$0x0], $0xffff;
	[tilespmem:s18+$0xEA00] =	vst v15  }
0x11c: {  	v59 =	vor.u32 $0xB00, v1;
	v16 =	vld.idx.msk [tilespmem:v60+s4+$0x0], $0xffff;
	[tilespmem:s19+$0xEA00] =	vst v12  }
0x11d: {  	v24 =	vor.u32 $0x900, v2;
	v10 =	vld.idx.msk [tilespmem:v61+s4+$0x0], $0xffff;
	[tilespmem:s21+$0xEA00] =	vst v9  }
0x11e: {  	v25 =	vor.u32 $0x900, v3;
	v11 =	vld.idx.msk [tilespmem:v62+s4+$0x0], $0xffff;
	[tilespmem:s22+$0xEA00] =	vst v7  }
0x11f: {  	v26 =	vor.u32 $0x900, v4;
	v8 =	vld.idx.msk [tilespmem:v63+s4+$0x0], $0xffff;
	[tilespmem:s23+$0xEA00] =	vst v20  }
0x120: {  	[tilespmem:s16+$0xEB80] =	vst v29;
	v27 =	vor.u32 $0x900, v5;
	v28 =	vld.idx.msk [tilespmem:v22+s4+$0x0], $0xffff  }
0x121: {  	v30 =	vor.u32 $0x900, v6;
	v21 =	vld.idx.msk [tilespmem:v59+s4+$0x0], $0xffff;
	[tilespmem:s18+$0xEA80] =	vst v16  }
0x122: {  	v31 =	vor.u32 $0xB80, v1;
	v12 =	vld.idx.msk [tilespmem:v24+s4+$0x0], $0xffff;
	[tilespmem:s19+$0xEA80] =	vst v10  }
0x123: {  	v32 =	vor.u32 $0x980, v2;
	v9 =	vld.idx.msk [tilespmem:v25+s4+$0x0], $0xffff;
	[tilespmem:s21+$0xEA80] =	vst v11  }
0x124: {  	v33 =	vor.u32 $0x980, v3;
	v7 =	vld.idx.msk [tilespmem:v26+s4+$0x0], $0xffff;
	[tilespmem:s22+$0xEA80] =	vst v8  }
0x125: {  	v34 =	vor.u32 $0x980, v4;
	v13 =	vld.idx.msk [tilespmem:v27+s4+$0x0], $0xffff;
	[tilespmem:s23+$0xEA80] =	vst v28  }
0x126: {  	[tilespmem:s17+$0xED00] =	vst v21;
	v35 =	vor.u32 $0x980, v5;
	v36 =	vld.idx.msk [tilespmem:v30+s4+$0x0], $0xffff  }
0x127: {  	v1 =	vld.idx.msk [tilespmem:v31+s4+$0x0], $0xffff;
	v37 =	vor.u32 $0x980, v6;
	[tilespmem:s18+$0xEB00] =	vst v12  }
0x128: {  	v38 =	vor.u32 $0xA00, v0;
	v10 =	vld.idx.msk [tilespmem:v32+s4+$0x0], $0xffff;
	[tilespmem:s19+$0xEB00] =	vst v9  }
0x129: {  	v39 =	vor.u32 $0xA00, v2;
	v11 =	vld.idx.msk [tilespmem:v33+s4+$0x0], $0xffff;
	[tilespmem:s21+$0xEB00] =	vst v7  }
0x12a: {  	v40 =	vor.u32 $0xA00, v3;
	v8 =	vld.idx.msk [tilespmem:v34+s4+$0x0], $0xffff;
	[tilespmem:s22+$0xEB00] =	vst v13  }
0x12b: {  	v41 =	vor.u32 $0xA00, v4;
	v14 =	vld.idx.msk [tilespmem:v35+s4+$0x0], $0xffff;
	[tilespmem:s23+$0xEB00] =	vst v36  }
0x12c: {  	[tilespmem:s17+$0xED80] =	vst v1;
	v42 =	vor.u32 $0xA00, v5;
	v12 =	vld.idx.msk [tilespmem:v37+s4+$0x0], $0xffff  }
0x12d: {  	v43 =	vld.idx.msk [tilespmem:v38+s4+$0x0], $0xffff;
	v44 =	vor.u32 $0xA00, v6;
	[tilespmem:s18+$0xEB80] =	vst v10  }
0x12e: {  	v45 =	vor.u32 $0xA80, v0;
	v9 =	vld.idx.msk [tilespmem:v39+s4+$0x0], $0xffff;
	[tilespmem:s19+$0xEB80] =	vst v11  }
0x12f: {  	v46 =	vor.u32 $0xA80, v2;
	v7 =	vld.idx.msk [tilespmem:v40+s4+$0x0], $0xffff;
	[tilespmem:s21+$0xEB80] =	vst v8  }
0x130: {  	v47 =	vor.u32 $0xA80, v3;
	v13 =	vld.idx.msk [tilespmem:v41+s4+$0x0], $0xffff;
	[tilespmem:s22+$0xEB80] =	vst v14  }
0x131: {  	v48 =	vor.u32 $0xA80, v4;
	v1 =	vld.idx.msk [tilespmem:v42+s4+$0x0], $0xffff;
	[tilespmem:s23+$0xEB80] =	vst v12  }
0x132: {  	[tilespmem:s16+$0xEC00] =	vst v43;
	v49 =	vor.u32 $0xA80, v5;
	v10 =	vld.idx.msk [tilespmem:v44+s4+$0x0], $0xffff  }
0x133: {  	v50 =	vor.u32 $0xA80, v6;
	v15 =	vld.idx.msk [tilespmem:v45+s4+$0x0], $0xffff;
	[tilespmem:s18+$0xEC00] =	vst v9  }
0x134: {  	v51 =	vor.u32 $0xB00, v0;
	v11 =	vld.idx.msk [tilespmem:v46+s4+$0x0], $0xffff;
	[tilespmem:s19+$0xEC00] =	vst v7  }
0x135: {  	v52 =	vor.u32 $0xB00, v2;
	v8 =	vld.idx.msk [tilespmem:v47+s4+$0x0], $0xffff;
	[tilespmem:s21+$0xEC00] =	vst v13  }
0x136: {  	v53 =	vor.u32 $0xB00, v3;
	v14 =	vld.idx.msk [tilespmem:v48+s4+$0x0], $0xffff;
	[tilespmem:s22+$0xEC00] =	vst v1  }
0x137: {  	v54 =	vor.u32 $0xB00, v4;
	v12 =	vld.idx.msk [tilespmem:v49+s4+$0x0], $0xffff;
	[tilespmem:s23+$0xEC00] =	vst v10  }
0x138: {  	[tilespmem:s16+$0xEC80] =	vst v15;
	v55 =	vor.u32 $0xB00, v5;
	v9 =	vld.idx.msk [tilespmem:v50+s4+$0x0], $0xffff  }
0x139: {  	v56 =	vor.u32 $0xB00, v6;
	v15 =	vld.idx.msk [tilespmem:v51+s4+$0x0], $0xffff;
	[tilespmem:s18+$0xEC80] =	vst v11  }
0x13a: {  	v57 =	vor.u32 $0xB80, v0;
	v7 =	vld.idx.msk [tilespmem:v52+s4+$0x0], $0xffff;
	[tilespmem:s19+$0xEC80] =	vst v8  }
0x13b: {  	v58 =	vor.u32 $0xB80, v2;
	v8 =	vld.idx.msk [tilespmem:v53+s4+$0x0], $0xffff;
	[tilespmem:s21+$0xEC80] =	vst v14  }
0x13c: {  	v59 =	vor.u32 $0xB80, v3;
	v1 =	vld.idx.msk [tilespmem:v54+s4+$0x0], $0xffff;
	[tilespmem:s22+$0xEC80] =	vst v12  }
0x13d: {  	v60 =	vor.u32 $0xB80, v4;
	v10 =	vld.idx.msk [tilespmem:v55+s4+$0x0], $0xffff;
	[tilespmem:s23+$0xEC80] =	vst v9  }
0x13e: {  	v61 =	vor.u32 $0xB80, v5;
	[tilespmem:s16+$0xED00] =	vst v15;
	v9 =	vld.idx.msk [tilespmem:v56+s4+$0x0], $0xffff  }
0x13f: {  	v6 =	vor.u32 $0xB80, v6;
	v0 =	vld.idx.msk [tilespmem:v57+s4+$0x0], $0xffff;
	[tilespmem:s18+$0xED00] =	vst v7  }
0x140: {  	v2 =	vld.idx.msk [tilespmem:v58+s4+$0x0], $0xffff;
	[tilespmem:s19+$0xED00] =	vst v8  }
0x141: {  	s26 =	smul.u32 $0x280, s15;
	v3 =	vld.idx.msk [tilespmem:v59+s4+$0x0], $0xffff;
	[tilespmem:s21+$0xED00] =	vst v1  }
0x142: {  	v1 =	vld.idx.msk [tilespmem:v60+s4+$0x0], $0xffff;
	[tilespmem:s22+$0xED00] =	vst v10  }
0x143: {  	s17 =	sadd.s32 s5, s26;
	v62 =	vld.idx.msk [tilespmem:v61+s4+$0x0], $0xffff;
	[tilespmem:s23+$0xED00] =	vst v9  }
0x144: {  	p0 =	slt.s32 s17, $0x18480;
	[tilespmem:s16+$0xED80] =	vst v0;
	v63 =	vld.idx.msk [tilespmem:v6+s4+$0x0], $0xffff  }
0x145: {  	s17 =	simm.s32 @!p0 $0x18480;
	[tilespmem:s18+$0xED80] =	vst v2  }
0x146: {  	s28 =	ssub.s32 s17, s5;
	[tilespmem:s19+$0xED80] =	vst v3  }
0x147: {  	s16 =	sshll.u32 s28, $0x5;
	[tilespmem:s21+$0xED80] =	vst v1  }
0x148: {  	s15 =	sadd.s32 $0x1, s15;
	s16 =	sshra.s32 s16, $0x2;
	[tilespmem:s22+$0xED80] =	vst v62  }
0x149: {  	p0 =	sne.s32 s15, $0x5;
	s17 =	sadd.s32 s3, s17;
	s29 =	sadd.s32 $0x2200, s16;
	[tilespmem:s23+$0xED80] =	vst v63  }
0x14a: {  	[hbm4b:s17+s4] =	stream.linear.scatter [tilespmem:s29], [sflag:$0x1], $0x1400, $0x38;
	[tilespmem:$0x14E00] =	vst v63  }
.Ltmp1:
0x14b: {  	s14 =	sadd.s32 $0x1400, s14;
	(pc) =	sbr.rel @p0 .LBB2_2-.Ltmp1, $4  }
0x14c: {  	s13 =	sadd.s32 $0x280, s13;
	s31 =	sadd.s32 $0x18700, s17;
	s30 =	sadd.s32 $0x8600, s16  }
0x14d: {  	[hbm4b:s31+s4] =	stream.linear.scatter [tilespmem:s30], [sflag:$0x1], $0x1400, $0x38;
	[tilespmem:$0x14E00] =	vst v63  }
0x14e: {  	s12 =	sadd.s32 $0x280, s12;
	s16 =	sadd.s32 $0xEA00, s16;
	s17 =	sadd.s32 $0x30E00, s17  }
0x14f: {  	[hbm4b:s17+s4] =	stream.linear.scatter [tilespmem:s16], [sflag:$0x1], $0x1400, $0x38;
	[tilespmem:$0x14E00] =	vst v63  }
0x150: {  	_ =	swait.ge [sflag:s10], $0x3C00  }
0x151: {  	[sflag:s10] =	ssyncset.done $0x0  }
0x152: {  	[sflag:s10] =	ssyncadd.s32 $0xFFFFC400  }
0x153: {  	_ =	swait.ge [sflag:s10], $0x3C00  }
0x154: {  	[sflag:s10] =	ssyncset.done $0x0  }
0x155: {  	[sflag:s10] =	ssyncadd.s32 $0xFFFFC400  }
0x156: {  	_ =	swait.ge [sflag:s10], $0x3C00  }
0x157: {  	[sflag:s10] =	ssyncset.done $0x0  }
0x158: {  	s11 =	sadd.s32 $0x1, s11;
	[sflag:s10] =	ssyncadd.s32 $0xFFFFC400  }
0x159: {  	p0 =	sne.s32 s11, s7;
	_ =	swait.ge [sflag:s10], $0x3C00  }
.Ltmp2:
0x15a: {  	[sflag:s10] =	ssyncset.done $0x0;
	(pc) =	sbr.rel @p0 .LBB2_1-.Ltmp2, $4  }
0x15b: {  	[sflag:s10] =	ssyncadd.s32 $0xFFFFC400  }
0x15c: {  	_ =	swait.ge [sflag:s10], $0x3C00  }
0x15d: {  	[sflag:s10] =	ssyncset.done $0x0  }
0x15e: {  	[sflag:s10] =	ssyncadd.s32 $0xFFFFC400  }
0x15f: {  	_ =	sfence.sel $0x180000  }
0x160: {  	[bflag:$0x0] =	sbarrier.arrive $0xFFFF  }
0x161: {  	p0 =	sne.s32 s0, $0x0;
	_ =	strace $0x90000047  }
0x162: {  	s0 =	sadd.s32 @!p0 $0x100000, s2;
	[bflag:$0x2] =	sbarrier.arrive $0xFFFF  }
0x163: {  	[sflag:s0] =	ssyncadd.tile.s32 @!p0 $0x1;
	_ =	shalt  }
.Lfunc_end2:
_tile_overlayer_lowered:
.L_overlay_start_2:
0x164: {  	(tag) =	ssettag $0x2  }
0x165: {  	s0 =	rddreg [dreg:$0x0];
	s2 =	stileid.u32  }
0x166: {  	s1 =	rddreg [dreg:$0x1];
	p0 =	sne.s32 s2, $0x0  }
0x167: {  	s3 =	rddreg [dreg:$0x2];
	[bflag:$0x3] =	sbarrier.arrive $0xFFFF;
	s2 =	simm.s32 @!p0 $0x1C02  }
0x168: {  	[timem:s3], [sflag:s2] =	dma.local @!p0 [hbm:s0], s1  }
0x169: {  	s0 =	simm.s32 @!p0 $0x2  }
0x16a: {  	_ =	swait.ge @!p0 [sflag:s0], s1  }
0x16b: {  	s1 =	ssub.s32 @!p0 $0x0, s1;
	[sflag:s0] =	ssyncset.done @!p0 $0x0  }
0x16c: {  	[sflag:s0] =	ssyncadd.s32 @!p0 s1  }
0x16d: {  	[bflag:$0x3] =	sbarrier.arrive $0xFFFF  }
0x16e: {  	_ =	shalt  }

</sc_bundles>
